<compile_context>
chip_gen: v7x
topology: tpu7x:2x2x1
jax: 0.10.2.dev20260603
libtpu: 0.0.44.dev20260713+nightly
codegen_flags: <defaults>
</compile_context>

<pallas_src>
import functools

import jax
import jax.numpy as jnp
from jax import lax
from jax.experimental import pallas as pl
from jax.experimental.pallas import tpu as pltpu
from jax.experimental.pallas import tpu_sc as plsc

N = 10000
E = 320000
HID = 128
OUT = 3
INIT_DIM = 8

NC = 2
NS = 16
NW = NC * NS
EPW = E // NW
NPAD = 10240
RPT = NPAD // NS
DEGW = 16
DCHUNK = 2000


def _make_sc_degree():
    mesh = plsc.VectorSubcoreMesh(core_axis_name="c", subcore_axis_name="s")

    @functools.partial(
        pl.kernel,
        out_type=jax.ShapeDtypeStruct((NC, NPAD, DEGW), jnp.float32),
        mesh=mesh,
        compiler_params=pltpu.CompilerParams(use_tc_tiling_on_sc=False),
        scratch_types=[
            pltpu.VMEM((EPW,), jnp.int32),
            pltpu.VMEM((DCHUNK, DEGW), jnp.float32),
            pltpu.VMEM_SHARED((NPAD, DEGW), jnp.float32),
        ],
    )
    def deg_kernel(ei_hbm, ones_hbm, z_hbm, out_hbm, didx, ones, acc):
        cid = lax.axis_index("c")
        sid = lax.axis_index("s")
        wid = sid * NC + cid
        pltpu.sync_copy(ei_hbm.at[1, pl.ds(wid * EPW, EPW)], didx)
        pltpu.sync_copy(ones_hbm, ones)
        pltpu.sync_copy(z_hbm, acc.at[pl.ds(sid * RPT, RPT)])
        plsc.subcore_barrier()

        def body(j, carry):
            pltpu.sync_copy(
                ones, acc.at[didx.at[pl.ds(j * DCHUNK, DCHUNK)]], add=True)
            return carry

        lax.fori_loop(0, EPW // DCHUNK, body, 0)
        plsc.subcore_barrier()
        pltpu.sync_copy(
            acc.at[pl.ds(sid * RPT, RPT)],
            out_hbm.at[cid, pl.ds(sid * RPT, RPT)],
        )

    return deg_kernel


def _make_sc_propagate(D, CHUNK, col_offs):
    NCHU = EPW // CHUNK
    mesh = plsc.VectorSubcoreMesh(core_axis_name="c", subcore_axis_name="s")

    @functools.partial(
        pl.kernel,
        out_type=jax.ShapeDtypeStruct((NC, NPAD, 128), jnp.float32),
        mesh=mesh,
        compiler_params=pltpu.CompilerParams(use_tc_tiling_on_sc=False),
        scratch_types=[
            pltpu.VMEM((EPW,), jnp.int32),
            pltpu.VMEM((EPW,), jnp.int32),
            pltpu.VMEM((2, CHUNK, D), jnp.float32),
            pltpu.VMEM_SHARED((NPAD, D), jnp.float32),
            pltpu.VMEM_SHARED((NPAD, D), jnp.float32),
            pltpu.SemaphoreType.DMA,
        ],
    )
    def prop_kernel(y_hbm, ei_hbm, z_hbm, out_hbm, sidx, didx, gbuf, tbl, acc,
                    gsem):
        cid = lax.axis_index("c")
        sid = lax.axis_index("s")
        wid = sid * NC + cid
        pltpu.sync_copy(ei_hbm.at[0, pl.ds(wid * EPW, EPW)], sidx)
        pltpu.sync_copy(ei_hbm.at[1, pl.ds(wid * EPW, EPW)], didx)

        def one_pass(c0):
            pltpu.sync_copy(y_hbm.at[pl.ds(sid * RPT, RPT), pl.ds(c0, D)],
                            tbl.at[pl.ds(sid * RPT, RPT)])
            pltpu.sync_copy(z_hbm, acc.at[pl.ds(sid * RPT, RPT)])
            plsc.subcore_barrier()

            pltpu.async_copy(tbl.at[sidx.at[pl.ds(0, CHUNK)]], gbuf.at[0],
                             gsem)

            def chunk(t, carry):
                pltpu.make_async_copy(
                    tbl.at[sidx.at[pl.ds(t * CHUNK, CHUNK)]],
                    gbuf.at[t % 2], gsem).wait()

                @pl.when(t + 1 < NCHU)
                def _prefetch():
                    pltpu.async_copy(
                        tbl.at[sidx.at[pl.ds((t + 1) * CHUNK, CHUNK)]],
                        gbuf.at[(t + 1) % 2], gsem)

                pltpu.sync_copy(
                    gbuf.at[t % 2],
                    acc.at[didx.at[pl.ds(t * CHUNK, CHUNK)]], add=True)
                return carry

            lax.fori_loop(0, NCHU, chunk, 0)
            plsc.subcore_barrier()
            pltpu.sync_copy(
                acc.at[pl.ds(sid * RPT, RPT)],
                out_hbm.at[cid, pl.ds(sid * RPT, RPT), pl.ds(c0, D)],
            )

        for c0 in col_offs:
            one_pass(c0)

    return prop_kernel


_DEG = _make_sc_degree()
_PROP_64 = _make_sc_propagate(64, 200, (0, 64))
_PROP_16 = _make_sc_propagate(16, 1000, (0,))

BM = 2000


def _tc_mm(x, w1):

    def body(xr, wr, xw):
        xw[...] = jnp.dot(xr[...], wr[...], preferred_element_type=jnp.float32)

    return pl.pallas_call(
        body,
        grid=(N // BM,),
        in_specs=[
            pl.BlockSpec((BM, HID), lambda i: (i, 0)),
            pl.BlockSpec((HID, HID), lambda i: (0, 0)),
        ],
        out_specs=pl.BlockSpec((BM, HID), lambda i: (i, 0)),
        out_shape=jax.ShapeDtypeStruct((N, HID), jnp.float32),
    )(x, w1)


def _tc_scale(deg, xw):

    def body(d0, d1, xwr, y_out, dis16):
        dv = d0[0, :, 0:1] + d1[0, :, 0:1] + 1.0
        dis = lax.rsqrt(dv)
        y_out[...] = xwr[...] * dis
        dis16[...] = jnp.broadcast_to(dis, (BM, 16))

    return pl.pallas_call(
        body,
        grid=(N // BM,),
        in_specs=[
            pl.BlockSpec((1, BM, DEGW), lambda i: (0, i, 0)),
            pl.BlockSpec((1, BM, DEGW), lambda i: (1, i, 0)),
            pl.BlockSpec((BM, HID), lambda i: (i, 0)),
        ],
        out_specs=[
            pl.BlockSpec((BM, HID), lambda i: (i, 0)),
            pl.BlockSpec((BM, 16), lambda i: (i, 0)),
        ],
        out_shape=[
            jax.ShapeDtypeStruct((NPAD, HID), jnp.float32),
            jax.ShapeDtypeStruct((N, 16), jnp.float32),
        ],
    )(deg, deg, xw)


def _tc_mid(s, ys, dis16, b1r, w2p):

    def body(a0, a1, yr, dr, br, wr, y2):
        dis = dr[:, 0:1]
        seg = a0[0] + a1[0] + yr[...]
        h = jnp.maximum(dis * seg + br[...], 0.0)
        y2[...] = jnp.dot(h, wr[...], preferred_element_type=jnp.float32) * dis

    slab = lambda cc: pl.BlockSpec((1, BM, HID), lambda i, cc=cc: (cc, i, 0))
    return pl.pallas_call(
        body,
        grid=(N // BM,),
        in_specs=[
            slab(0), slab(1),
            pl.BlockSpec((BM, HID), lambda i: (i, 0)),
            pl.BlockSpec((BM, 16), lambda i: (i, 0)),
            pl.BlockSpec((1, HID), lambda i: (0, 0)),
            pl.BlockSpec((HID, HID), lambda i: (0, 0)),
        ],
        out_specs=pl.BlockSpec((BM, HID), lambda i: (i, 0)),
        out_shape=jax.ShapeDtypeStruct((NPAD, HID), jnp.float32),
    )(s, s, ys, dis16, b1r, w2p)


def _tc_post(t, y2, dis16, init, b2p, wh, wi, bf8):

    def body(a0, a1, yr, dr, ir, br, whr, wir, bfr, out3):
        dis = dr[:, 0:1]
        h2 = dis * (a0[0, :, :16] + a1[0, :, :16] + yr[:, :16]) + br[...]
        res = (
            jnp.dot(h2, whr[...], preferred_element_type=jnp.float32)
            + jnp.dot(ir[...], wir[...], preferred_element_type=jnp.float32)
            + bfr[...]
        )
        out3[...] = res[:, :OUT]

    tslab = lambda cc: pl.BlockSpec((1, BM, 128), lambda i, cc=cc: (cc, i, 0))
    return pl.pallas_call(
        body,
        grid=(N // BM,),
        in_specs=[
            tslab(0), tslab(1),
            pl.BlockSpec((BM, 128), lambda i: (i, 0)),
            pl.BlockSpec((BM, 16), lambda i: (i, 0)),
            pl.BlockSpec((BM, INIT_DIM), lambda i: (i, 0)),
            pl.BlockSpec((1, 16), lambda i: (0, 0)),
            pl.BlockSpec((16, 8), lambda i: (0, 0)),
            pl.BlockSpec((INIT_DIM, 8), lambda i: (0, 0)),
            pl.BlockSpec((1, 8), lambda i: (0, 0)),
        ],
        out_specs=pl.BlockSpec((BM, OUT), lambda i: (i, 0)),
        out_shape=jax.ShapeDtypeStruct((N, OUT), jnp.float32),
    )(t, t, y2, dis16, init, b2p, wh, wi, bf8)


def kernel(x, edge_index, edge_attr, initial_state, W1, b1, W2, b2, Wfc, bfc):
    del edge_attr
    ei = edge_index.astype(jnp.int32)

    b1r = b1.reshape(1, HID)
    w2p = jnp.zeros((HID, HID), jnp.float32).at[:, :OUT].set(W2)
    b2p = jnp.zeros((1, 16), jnp.float32).at[0, :OUT].set(b2)
    wh = jnp.zeros((16, 8), jnp.float32).at[:OUT, :OUT].set(Wfc[:OUT])
    wi = jnp.zeros((INIT_DIM, 8), jnp.float32).at[:, :OUT].set(Wfc[OUT:])
    bf8 = jnp.zeros((1, 8), jnp.float32).at[0, :OUT].set(bfc)

    ones_deg = jnp.ones((DCHUNK, DEGW), jnp.float32)
    z16 = jnp.zeros((RPT, 16), jnp.float32)
    z64 = jnp.zeros((RPT, 64), jnp.float32)

    xw = _tc_mm(x, W1)
    deg = _DEG(ei, ones_deg, z16)
    ys, dis16 = _tc_scale(deg, xw)
    s = _PROP_64(ys, ei, z64)
    y2 = _tc_mid(s, ys, dis16, b1r, w2p)
    t = _PROP_16(y2, ei, z16)
    return _tc_post(t, y2, dis16, initial_state, b2p, wh, wi, bf8)

# --- scband reference (transcript-rebuilt; emitter-appended) ---
"""Pipeline reference for scband-decoder-60902636257603 (READ-ONLY COPY).

The authoritative reference and input builder live on the scoring server;
editing this copy changes nothing except your own understanding.
"""

import jax, jax.numpy as jnp
import numpy as np

N = 10000
E = 320000
HID = 128
OUT = 3
INIT_DIM = 8
EDGE_DIM = 4


def gcn_conv(x, src, dst, n, W, b):
    # x' = D^{-1/2} (A + I) D^{-1/2} X W + b   (PyG GCNConv with add_self_loops=True)
    xw = x @ W
    loop = jnp.arange(n, dtype=src.dtype)
    s = jnp.concatenate([src, loop])
    d = jnp.concatenate([dst, loop])
    deg = jnp.zeros((n,), xw.dtype).at[d].add(1.0)
    dis = jnp.where(deg > 0, jax.lax.rsqrt(jnp.maximum(deg, 1e-12)), 0.0)
    norm = dis[s] * dis[d]
    msg = xw[s] * norm[:, None]
    out = jnp.zeros((n, W.shape[1]), xw.dtype).at[d].add(msg)
    return out + b


def setup_inputs(seed: int = 0) -> dict:
    key = jax.random.key(seed)
    ks = jax.random.split(key, 12)
    x = jax.random.normal(ks[0], (N, HID), dtype=jnp.float32)
    edge_index = jax.random.randint(ks[1], (2, E), 0, N, dtype=jnp.int32)
    edge_attr = jax.random.normal(ks[2], (E, EDGE_DIM), dtype=jnp.float32)
    initial_state = jax.random.normal(ks[3], (N, INIT_DIM), dtype=jnp.float32)
    # parameters
    W1 = jax.random.normal(ks[4], (HID, HID), dtype=jnp.float32) * (1.0 / np.sqrt(HID))
    b1 = jnp.zeros((HID,), dtype=jnp.float32)
    W2 = jax.random.normal(ks[5], (HID, OUT), dtype=jnp.float32) * (1.0 / np.sqrt(HID))
    b2 = jnp.zeros((OUT,), dtype=jnp.float32)
    Wfc = jax.random.normal(ks[6], (INIT_DIM + OUT, OUT), dtype=jnp.float32) * (1.0 / np.sqrt(INIT_DIM + OUT))
    bfc = jnp.zeros((OUT,), dtype=jnp.float32)
    return {"x": x, "edge_index": edge_index, "edge_attr": edge_attr,
            "initial_state": initial_state, "W1": W1, "b1": b1,
            "W2": W2, "b2": b2, "Wfc": Wfc, "bfc": bfc}


def reference(x, edge_index, edge_attr, initial_state, W1, b1, W2, b2, Wfc, bfc):
    # edge_attr is accepted but unused, matching the original forward signature
    src = edge_index[0]
    dst = edge_index[1]
    h = jax.nn.relu(gcn_conv(x, src, dst, N, W1, b1))
    h = gcn_conv(h, src, dst, N, W2, b2)
    h = jnp.concatenate([h, initial_state], axis=-1)
    return h @ Wfc + bfc

if __name__ == "__main__":
    import jax
    _d = setup_inputs()
    print(jax.jit(kernel)(*tuple(_d.values())))

</pallas_src>

<mosaic_0001>
#map = affine_map<(d0, d1) -> (0, 0)>
#map1 = affine_map<(d0, d1) -> (0, 0, 0)>
module attributes {stable_mosaic.version = 14 : i64} {
  func.func @deg_kernel(%arg0: i32, %arg1: i32, %arg2: memref<2x320000xi32, #tpu.memory_space<hbm>>, %arg3: memref<2000x16xf32, #tpu.memory_space<hbm>>, %arg4: memref<640x16xf32, #tpu.memory_space<hbm>>, %arg5: memref<2x10240x16xf32, #tpu.memory_space<hbm>>, %arg6: memref<10000xi32, #tpu.memory_space<vmem>>, %arg7: memref<2000x16xf32, #tpu.memory_space<vmem>>, %arg8: memref<10240x16xf32, #tpu.memory_space<vmem_shared>>) attributes {dimension_semantics = [#tpu.dimension_semantics<core_parallel>, #tpu.dimension_semantics<subcore_parallel>], iteration_bounds = array<i64: 2, 16>, scalar_prefetch = 0 : i64, scratch_operands = 3 : i64, tpu.core_type = #tpu.core_type<sc_vector_subcore>, window_params = [{transform_indices = #map}, {transform_indices = #map}, {transform_indices = #map}, {transform_indices = #map1}]} {
    %mul3A = arith.constant 2 : i32
    %mul3A_0 = arith.muli %arg1, %mul3A : i32
    %add3A = arith.addi %mul3A_0, %arg0 : i32
    %mul3A_1 = arith.constant 10000 : i32
    %mul3A_2 = arith.muli %add3A, %mul3A_1 : i32
    %run_scoped3A = arith.constant 1 : i32
    "tpu.region"() ({
      %run_scoped3A_15 = tpu.sem_alloc : memref<!tpu.dma_semaphore, #tpu.memory_space<semaphore_mem>>
      %dma_start3A = tpu.memref_slice %arg2[%run_scoped3A, %mul3A_2] : memref<2x320000xi32, #tpu.memory_space<hbm>> -> memref<1x10000xi32, #tpu.memory_space<hbm>>
      %dma_start3A_16 = tpu.memref_squeeze %dma_start3A : memref<1x10000xi32, #tpu.memory_space<hbm>> -> memref<10000xi32, #tpu.memory_space<hbm>>
      %dma_start3A_17 = tpu.memref_slice %arg2[%run_scoped3A, %mul3A_2] : memref<2x320000xi32, #tpu.memory_space<hbm>> -> memref<1x10000xi32, #tpu.memory_space<hbm>>
      %dma_start3A_18 = tpu.memref_squeeze %dma_start3A_17 : memref<1x10000xi32, #tpu.memory_space<hbm>> -> memref<10000xi32, #tpu.memory_space<hbm>>
      tpu.enqueue_dma source(%dma_start3A_18 : memref<10000xi32, #tpu.memory_space<hbm>>) target(%arg6 : memref<10000xi32, #tpu.memory_space<vmem>>) target_semaphore(%run_scoped3A_15 : memref<!tpu.dma_semaphore, #tpu.memory_space<semaphore_mem>>)
      %dma_wait3A = tpu.memref_slice %arg2[%run_scoped3A, %mul3A_2] : memref<2x320000xi32, #tpu.memory_space<hbm>> -> memref<1x10000xi32, #tpu.memory_space<hbm>>
      %dma_wait3A_19 = tpu.memref_squeeze %dma_wait3A : memref<1x10000xi32, #tpu.memory_space<hbm>> -> memref<10000xi32, #tpu.memory_space<hbm>>
      %dma_wait3A_20 = tpu.memref_slice %arg2[%run_scoped3A, %mul3A_2] : memref<2x320000xi32, #tpu.memory_space<hbm>> -> memref<1x10000xi32, #tpu.memory_space<hbm>>
      %dma_wait3A_21 = tpu.memref_squeeze %dma_wait3A_20 : memref<1x10000xi32, #tpu.memory_space<hbm>> -> memref<10000xi32, #tpu.memory_space<hbm>>
      tpu.wait_dma2 semaphore(%run_scoped3A_15 : memref<!tpu.dma_semaphore, #tpu.memory_space<semaphore_mem>>) src(%dma_wait3A_21 : memref<10000xi32, #tpu.memory_space<hbm>>) dst(%arg6 : memref<10000xi32, #tpu.memory_space<vmem>>)
      tpu.yield
    }) : () -> ()
    "tpu.region"() ({
      %run_scoped3A_15 = tpu.sem_alloc : memref<!tpu.dma_semaphore, #tpu.memory_space<semaphore_mem>>
      tpu.enqueue_dma source(%arg3 : memref<2000x16xf32, #tpu.memory_space<hbm>>) target(%arg7 : memref<2000x16xf32, #tpu.memory_space<vmem>>) target_semaphore(%run_scoped3A_15 : memref<!tpu.dma_semaphore, #tpu.memory_space<semaphore_mem>>)
      tpu.wait_dma2 semaphore(%run_scoped3A_15 : memref<!tpu.dma_semaphore, #tpu.memory_space<semaphore_mem>>) src(%arg3 : memref<2000x16xf32, #tpu.memory_space<hbm>>) dst(%arg7 : memref<2000x16xf32, #tpu.memory_space<vmem>>)
      tpu.yield
    }) : () -> ()
    %mul3A_3 = arith.constant 640 : i32
    %mul3A_4 = arith.muli %arg1, %mul3A_3 : i32
    "tpu.region"() ({
      %run_scoped3A_15 = tpu.sem_alloc : memref<!tpu.dma_semaphore, #tpu.memory_space<semaphore_mem>>
      %dma_start3A = arith.constant 0 : i32
      %dma_start3A_16 = tpu.memref_slice %arg8[%mul3A_4, %dma_start3A] : memref<10240x16xf32, #tpu.memory_space<vmem_shared>> -> memref<640x16xf32, #tpu.memory_space<vmem_shared>>
      tpu.enqueue_dma source(%arg4 : memref<640x16xf32, #tpu.memory_space<hbm>>) target(%dma_start3A_16 : memref<640x16xf32, #tpu.memory_space<vmem_shared>>) target_semaphore(%run_scoped3A_15 : memref<!tpu.dma_semaphore, #tpu.memory_space<semaphore_mem>>)
      %dma_wait3A = arith.constant 0 : i32
      %dma_wait3A_17 = tpu.memref_slice %arg8[%mul3A_4, %dma_wait3A] : memref<10240x16xf32, #tpu.memory_space<vmem_shared>> -> memref<640x16xf32, #tpu.memory_space<vmem_shared>>
      tpu.wait_dma2 semaphore(%run_scoped3A_15 : memref<!tpu.dma_semaphore, #tpu.memory_space<semaphore_mem>>) src(%arg4 : memref<640x16xf32, #tpu.memory_space<hbm>>) dst(%dma_wait3A_17 : memref<640x16xf32, #tpu.memory_space<vmem_shared>>)
      tpu.yield
    }) : () -> ()
    %barrier3A = arith.constant 0 : index
    tpu.barrier barrier_id(%barrier3A)
    %scan3A = arith.constant 0 : i32
    %scan3A_5 = arith.constant 0 : i32
    %scan3A_6 = arith.constant 5 : i32
    %scan3A_7 = arith.addi %scan3A_5, %scan3A_6 : i32
    %scan3A_8 = arith.constant 1 : i32
    scf.for %scan3A_15 = %scan3A_5 to %scan3A_7 step %scan3A_8  : i32 {
      %mul3A_16 = arith.constant 2000 : i32
      %mul3A_17 = arith.muli %scan3A_15, %mul3A_16 : i32
      "tpu.region"() ({
        %run_scoped3A_18 = tpu.sem_alloc : memref<!tpu.dma_semaphore, #tpu.memory_space<semaphore_mem>>
        %dma_start3A = tpu.memref_slice %arg6[%mul3A_17] : memref<10000xi32, #tpu.memory_space<vmem>> -> memref<2000xi32, #tpu.memory_space<vmem>>
        %dma_start3A_19 = arith.constant 0 : i32
        %dma_start3A_20 = arith.constant 0 : i32
        %dma_start3A_21 = tpu.memref_slice %arg8[%dma_start3A_19, %dma_start3A_20] : memref<10240x16xf32, #tpu.memory_space<vmem_shared>> -> memref<10240x16xf32, #tpu.memory_space<vmem_shared>>
        tpu.enqueue_indirect_dma source(%arg7 : memref<2000x16xf32, #tpu.memory_space<vmem>>) target(%dma_start3A_21 : memref<10240x16xf32, #tpu.memory_space<vmem_shared>>) offsets(%dma_start3A : memref<2000xi32, #tpu.memory_space<vmem>>) semaphore(%run_scoped3A_18 : memref<!tpu.dma_semaphore, #tpu.memory_space<semaphore_mem>>) {add = true}
        %dma_wait3A = tpu.memref_slice %arg6[%mul3A_17] : memref<10000xi32, #tpu.memory_space<vmem>> -> memref<2000xi32, #tpu.memory_space<vmem>>
        %dma_wait3A_22 = arith.constant 0 : i32
        %dma_wait3A_23 = arith.constant 0 : i32
        %dma_wait3A_24 = tpu.memref_slice %arg8[%dma_wait3A_22, %dma_wait3A_23] : memref<10240x16xf32, #tpu.memory_space<vmem_shared>> -> memref<10240x16xf32, #tpu.memory_space<vmem_shared>>
        tpu.wait_indirect_dma semaphore(%run_scoped3A_18 : memref<!tpu.dma_semaphore, #tpu.memory_space<semaphore_mem>>) src(%arg7 : memref<2000x16xf32, #tpu.memory_space<vmem>>) dst(%dma_wait3A_24 : memref<10240x16xf32, #tpu.memory_space<vmem_shared>>)
        tpu.yield
      }) : () -> ()
    }
    %scan3A_9 = arith.constant 5 : i32
    %barrier3A_10 = arith.constant 0 : index
    tpu.barrier barrier_id(%barrier3A_10)
    %mul3A_11 = arith.constant 640 : i32
    %mul3A_12 = arith.muli %arg1, %mul3A_11 : i32
    %mul3A_13 = arith.constant 640 : i32
    %mul3A_14 = arith.muli %arg1, %mul3A_13 : i32
    "tpu.region"() ({
      %run_scoped3A_15 = tpu.sem_alloc : memref<!tpu.dma_semaphore, #tpu.memory_space<semaphore_mem>>
      %dma_start3A = arith.constant 0 : i32
      %dma_start3A_16 = tpu.memref_slice %arg5[%arg0, %mul3A_14, %dma_start3A] : memref<2x10240x16xf32, #tpu.memory_space<hbm>> -> memref<1x640x16xf32, #tpu.memory_space<hbm>>
      %dma_start3A_17 = tpu.memref_squeeze %dma_start3A_16 : memref<1x640x16xf32, #tpu.memory_space<hbm>> -> memref<640x16xf32, #tpu.memory_space<hbm>>
      %dma_start3A_18 = arith.constant 0 : i32
      %dma_start3A_19 = tpu.memref_slice %arg8[%mul3A_12, %dma_start3A_18] : memref<10240x16xf32, #tpu.memory_space<vmem_shared>> -> memref<640x16xf32, #tpu.memory_space<vmem_shared>>
      tpu.enqueue_dma source(%dma_start3A_19 : memref<640x16xf32, #tpu.memory_space<vmem_shared>>) target(%dma_start3A_17 : memref<640x16xf32, #tpu.memory_space<hbm>>) target_semaphore(%run_scoped3A_15 : memref<!tpu.dma_semaphore, #tpu.memory_space<semaphore_mem>>)
      %dma_wait3A = arith.constant 0 : i32
      %dma_wait3A_20 = tpu.memref_slice %arg5[%arg0, %mul3A_14, %dma_wait3A] : memref<2x10240x16xf32, #tpu.memory_space<hbm>> -> memref<1x640x16xf32, #tpu.memory_space<hbm>>
      %dma_wait3A_21 = tpu.memref_squeeze %dma_wait3A_20 : memref<1x640x16xf32, #tpu.memory_space<hbm>> -> memref<640x16xf32, #tpu.memory_space<hbm>>
      %dma_wait3A_22 = arith.constant 0 : i32
      %dma_wait3A_23 = tpu.memref_slice %arg8[%mul3A_12, %dma_wait3A_22] : memref<10240x16xf32, #tpu.memory_space<vmem_shared>> -> memref<640x16xf32, #tpu.memory_space<vmem_shared>>
      tpu.wait_dma2 semaphore(%run_scoped3A_15 : memref<!tpu.dma_semaphore, #tpu.memory_space<semaphore_mem>>) src(%dma_wait3A_23 : memref<640x16xf32, #tpu.memory_space<vmem_shared>>) dst(%dma_wait3A_21 : memref<640x16xf32, #tpu.memory_space<hbm>>)
      tpu.yield
    }) : () -> ()
    return
  }
}

#map = affine_map<(d0, d1) -> (0, 0)>
#map1 = affine_map<(d0, d1) -> (0, 0, 0)>
module attributes {stable_mosaic.version = 14 : i64} {
  func.func @prop_kernel(%arg0: i32, %arg1: i32, %arg2: memref<10240x128xf32, #tpu.memory_space<hbm>>, %arg3: memref<2x320000xi32, #tpu.memory_space<hbm>>, %arg4: memref<640x16xf32, #tpu.memory_space<hbm>>, %arg5: memref<2x10240x128xf32, #tpu.memory_space<hbm>>, %arg6: memref<10000xi32, #tpu.memory_space<vmem>>, %arg7: memref<10000xi32, #tpu.memory_space<vmem>>, %arg8: memref<2x1000x16xf32, #tpu.memory_space<vmem>>, %arg9: memref<10240x16xf32, #tpu.memory_space<vmem_shared>>, %arg10: memref<10240x16xf32, #tpu.memory_space<vmem_shared>>, %arg11: memref<!tpu.dma_semaphore, #tpu.memory_space<semaphore_mem>>) attributes {dimension_semantics = [#tpu.dimension_semantics<core_parallel>, #tpu.dimension_semantics<subcore_parallel>], iteration_bounds = array<i64: 2, 16>, scalar_prefetch = 0 : i64, scratch_operands = 6 : i64, tpu.core_type = #tpu.core_type<sc_vector_subcore>, window_params = [{transform_indices = #map}, {transform_indices = #map}, {transform_indices = #map}, {transform_indices = #map1}]} {
    %mul3A = arith.constant 2 : i32
    %mul3A_0 = arith.muli %arg1, %mul3A : i32
    %add3A = arith.addi %mul3A_0, %arg0 : i32
    %mul3A_1 = arith.constant 10000 : i32
    %mul3A_2 = arith.muli %add3A, %mul3A_1 : i32
    %run_scoped3A = arith.constant 0 : i32
    "tpu.region"() ({
      %run_scoped3A_31 = tpu.sem_alloc : memref<!tpu.dma_semaphore, #tpu.memory_space<semaphore_mem>>
      %dma_start3A_32 = tpu.memref_slice %arg3[%run_scoped3A, %mul3A_2] : memref<2x320000xi32, #tpu.memory_space<hbm>> -> memref<1x10000xi32, #tpu.memory_space<hbm>>
      %dma_start3A_33 = tpu.memref_squeeze %dma_start3A_32 : memref<1x10000xi32, #tpu.memory_space<hbm>> -> memref<10000xi32, #tpu.memory_space<hbm>>
      %dma_start3A_34 = tpu.memref_slice %arg3[%run_scoped3A, %mul3A_2] : memref<2x320000xi32, #tpu.memory_space<hbm>> -> memref<1x10000xi32, #tpu.memory_space<hbm>>
      %dma_start3A_35 = tpu.memref_squeeze %dma_start3A_34 : memref<1x10000xi32, #tpu.memory_space<hbm>> -> memref<10000xi32, #tpu.memory_space<hbm>>
      tpu.enqueue_dma source(%dma_start3A_35 : memref<10000xi32, #tpu.memory_space<hbm>>) target(%arg6 : memref<10000xi32, #tpu.memory_space<vmem>>) target_semaphore(%run_scoped3A_31 : memref<!tpu.dma_semaphore, #tpu.memory_space<semaphore_mem>>)
      %dma_wait3A = tpu.memref_slice %arg3[%run_scoped3A, %mul3A_2] : memref<2x320000xi32, #tpu.memory_space<hbm>> -> memref<1x10000xi32, #tpu.memory_space<hbm>>
      %dma_wait3A_36 = tpu.memref_squeeze %dma_wait3A : memref<1x10000xi32, #tpu.memory_space<hbm>> -> memref<10000xi32, #tpu.memory_space<hbm>>
      %dma_wait3A_37 = tpu.memref_slice %arg3[%run_scoped3A, %mul3A_2] : memref<2x320000xi32, #tpu.memory_space<hbm>> -> memref<1x10000xi32, #tpu.memory_space<hbm>>
      %dma_wait3A_38 = tpu.memref_squeeze %dma_wait3A_37 : memref<1x10000xi32, #tpu.memory_space<hbm>> -> memref<10000xi32, #tpu.memory_space<hbm>>
      tpu.wait_dma2 semaphore(%run_scoped3A_31 : memref<!tpu.dma_semaphore, #tpu.memory_space<semaphore_mem>>) src(%dma_wait3A_38 : memref<10000xi32, #tpu.memory_space<hbm>>) dst(%arg6 : memref<10000xi32, #tpu.memory_space<vmem>>)
      tpu.yield
    }) : () -> ()
    %mul3A_3 = arith.constant 10000 : i32
    %mul3A_4 = arith.muli %add3A, %mul3A_3 : i32
    %run_scoped3A_5 = arith.constant 1 : i32
    "tpu.region"() ({
      %run_scoped3A_31 = tpu.sem_alloc : memref<!tpu.dma_semaphore, #tpu.memory_space<semaphore_mem>>
      %dma_start3A_32 = tpu.memref_slice %arg3[%run_scoped3A_5, %mul3A_4] : memref<2x320000xi32, #tpu.memory_space<hbm>> -> memref<1x10000xi32, #tpu.memory_space<hbm>>
      %dma_start3A_33 = tpu.memref_squeeze %dma_start3A_32 : memref<1x10000xi32, #tpu.memory_space<hbm>> -> memref<10000xi32, #tpu.memory_space<hbm>>
      %dma_start3A_34 = tpu.memref_slice %arg3[%run_scoped3A_5, %mul3A_4] : memref<2x320000xi32, #tpu.memory_space<hbm>> -> memref<1x10000xi32, #tpu.memory_space<hbm>>
      %dma_start3A_35 = tpu.memref_squeeze %dma_start3A_34 : memref<1x10000xi32, #tpu.memory_space<hbm>> -> memref<10000xi32, #tpu.memory_space<hbm>>
      tpu.enqueue_dma source(%dma_start3A_35 : memref<10000xi32, #tpu.memory_space<hbm>>) target(%arg7 : memref<10000xi32, #tpu.memory_space<vmem>>) target_semaphore(%run_scoped3A_31 : memref<!tpu.dma_semaphore, #tpu.memory_space<semaphore_mem>>)
      %dma_wait3A = tpu.memref_slice %arg3[%run_scoped3A_5, %mul3A_4] : memref<2x320000xi32, #tpu.memory_space<hbm>> -> memref<1x10000xi32, #tpu.memory_space<hbm>>
      %dma_wait3A_36 = tpu.memref_squeeze %dma_wait3A : memref<1x10000xi32, #tpu.memory_space<hbm>> -> memref<10000xi32, #tpu.memory_space<hbm>>
      %dma_wait3A_37 = tpu.memref_slice %arg3[%run_scoped3A_5, %mul3A_4] : memref<2x320000xi32, #tpu.memory_space<hbm>> -> memref<1x10000xi32, #tpu.memory_space<hbm>>
      %dma_wait3A_38 = tpu.memref_squeeze %dma_wait3A_37 : memref<1x10000xi32, #tpu.memory_space<hbm>> -> memref<10000xi32, #tpu.memory_space<hbm>>
      tpu.wait_dma2 semaphore(%run_scoped3A_31 : memref<!tpu.dma_semaphore, #tpu.memory_space<semaphore_mem>>) src(%dma_wait3A_38 : memref<10000xi32, #tpu.memory_space<hbm>>) dst(%arg7 : memref<10000xi32, #tpu.memory_space<vmem>>)
      tpu.yield
    }) : () -> ()
    %mul3A_6 = arith.constant 640 : i32
    %mul3A_7 = arith.muli %arg1, %mul3A_6 : i32
    %mul3A_8 = arith.constant 640 : i32
    %mul3A_9 = arith.muli %arg1, %mul3A_8 : i32
    "tpu.region"() ({
      %run_scoped3A_31 = tpu.sem_alloc : memref<!tpu.dma_semaphore, #tpu.memory_space<semaphore_mem>>
      %dma_start3A_32 = arith.constant 0 : i32
      %dma_start3A_33 = tpu.memref_slice %arg9[%mul3A_9, %dma_start3A_32] : memref<10240x16xf32, #tpu.memory_space<vmem_shared>> -> memref<640x16xf32, #tpu.memory_space<vmem_shared>>
      %dma_start3A_34 = arith.constant 0 : i32
      %dma_start3A_35 = tpu.memref_slice %arg2[%mul3A_7, %dma_start3A_34] : memref<10240x128xf32, #tpu.memory_space<hbm>> -> memref<640x16xf32, #tpu.memory_space<hbm>>
      tpu.enqueue_dma source(%dma_start3A_35 : memref<640x16xf32, #tpu.memory_space<hbm>>) target(%dma_start3A_33 : memref<640x16xf32, #tpu.memory_space<vmem_shared>>) target_semaphore(%run_scoped3A_31 : memref<!tpu.dma_semaphore, #tpu.memory_space<semaphore_mem>>)
      %dma_wait3A = arith.constant 0 : i32
      %dma_wait3A_36 = tpu.memref_slice %arg9[%mul3A_9, %dma_wait3A] : memref<10240x16xf32, #tpu.memory_space<vmem_shared>> -> memref<640x16xf32, #tpu.memory_space<vmem_shared>>
      %dma_wait3A_37 = arith.constant 0 : i32
      %dma_wait3A_38 = tpu.memref_slice %arg2[%mul3A_7, %dma_wait3A_37] : memref<10240x128xf32, #tpu.memory_space<hbm>> -> memref<640x16xf32, #tpu.memory_space<hbm>>
      tpu.wait_dma2 semaphore(%run_scoped3A_31 : memref<!tpu.dma_semaphore, #tpu.memory_space<semaphore_mem>>) src(%dma_wait3A_38 : memref<640x16xf32, #tpu.memory_space<hbm>>) dst(%dma_wait3A_36 : memref<640x16xf32, #tpu.memory_space<vmem_shared>>)
      tpu.yield
    }) : () -> ()
    %mul3A_10 = arith.constant 640 : i32
    %mul3A_11 = arith.muli %arg1, %mul3A_10 : i32
    "tpu.region"() ({
      %run_scoped3A_31 = tpu.sem_alloc : memref<!tpu.dma_semaphore, #tpu.memory_space<semaphore_mem>>
      %dma_start3A_32 = arith.constant 0 : i32
      %dma_start3A_33 = tpu.memref_slice %arg10[%mul3A_11, %dma_start3A_32] : memref<10240x16xf32, #tpu.memory_space<vmem_shared>> -> memref<640x16xf32, #tpu.memory_space<vmem_shared>>
      tpu.enqueue_dma source(%arg4 : memref<640x16xf32, #tpu.memory_space<hbm>>) target(%dma_start3A_33 : memref<640x16xf32, #tpu.memory_space<vmem_shared>>) target_semaphore(%run_scoped3A_31 : memref<!tpu.dma_semaphore, #tpu.memory_space<semaphore_mem>>)
      %dma_wait3A = arith.constant 0 : i32
      %dma_wait3A_34 = tpu.memref_slice %arg10[%mul3A_11, %dma_wait3A] : memref<10240x16xf32, #tpu.memory_space<vmem_shared>> -> memref<640x16xf32, #tpu.memory_space<vmem_shared>>
      tpu.wait_dma2 semaphore(%run_scoped3A_31 : memref<!tpu.dma_semaphore, #tpu.memory_space<semaphore_mem>>) src(%arg4 : memref<640x16xf32, #tpu.memory_space<hbm>>) dst(%dma_wait3A_34 : memref<640x16xf32, #tpu.memory_space<vmem_shared>>)
      tpu.yield
    }) : () -> ()
    %barrier3A = arith.constant 0 : index
    tpu.barrier barrier_id(%barrier3A)
    %dma_start3A = arith.constant 0 : i32
    %dma_start3A_12 = arith.constant 0 : i32
    %dma_start3A_13 = arith.constant 0 : i32
    %dma_start3A_14 = tpu.memref_slice %arg8[%dma_start3A, %dma_start3A_12, %dma_start3A_13] : memref<2x1000x16xf32, #tpu.memory_space<vmem>> -> memref<1x1000x16xf32, #tpu.memory_space<vmem>>
    %dma_start3A_15 = tpu.memref_squeeze %dma_start3A_14 : memref<1x1000x16xf32, #tpu.memory_space<vmem>> -> memref<1000x16xf32, #tpu.memory_space<vmem>>
    %dma_start3A_16 = arith.constant 0 : i32
    %dma_start3A_17 = tpu.memref_slice %arg6[%dma_start3A_16] : memref<10000xi32, #tpu.memory_space<vmem>> -> memref<1000xi32, #tpu.memory_space<vmem>>
    %dma_start3A_18 = arith.constant 0 : i32
    %dma_start3A_19 = arith.constant 0 : i32
    %dma_start3A_20 = tpu.memref_slice %arg9[%dma_start3A_18, %dma_start3A_19] : memref<10240x16xf32, #tpu.memory_space<vmem_shared>> -> memref<10240x16xf32, #tpu.memory_space<vmem_shared>>
    tpu.enqueue_indirect_dma source(%dma_start3A_20 : memref<10240x16xf32, #tpu.memory_space<vmem_shared>>) target(%dma_start3A_15 : memref<1000x16xf32, #tpu.memory_space<vmem>>) offsets(%dma_start3A_17 : memref<1000xi32, #tpu.memory_space<vmem>>) semaphore(%arg11 : memref<!tpu.dma_semaphore, #tpu.memory_space<semaphore_mem>>)
    %scan3A = arith.constant 0 : i32
    %scan3A_21 = arith.constant 0 : i32
    %scan3A_22 = arith.constant 10 : i32
    %scan3A_23 = arith.addi %scan3A_21, %scan3A_22 : i32
    %scan3A_24 = arith.constant 1 : i32
    scf.for %scan3A_31 = %scan3A_21 to %scan3A_23 step %scan3A_24  : i32 {
      %mul3A_32 = arith.constant 1000 : i32
      %mul3A_33 = arith.muli %scan3A_31, %mul3A_32 : i32
      %jit3A = arith.constant 2 : i32
      %eq3A = arith.constant 0 : i32
      %eq3A_34 = arith.cmpi eq, %jit3A, %eq3A : i32
      %jit3A_35 = arith.constant 1 : i32
      %select_n3A = arith.select %eq3A_34, %jit3A_35, %jit3A : i32
      %rem3A = arith.remsi %scan3A_31, %select_n3A : i32
      %ne3A = arith.constant 0 : i32
      %ne3A_36 = arith.cmpi ne, %rem3A, %ne3A : i32
      %lt3A = arith.constant 0 : i32
      %lt3A_37 = arith.cmpi slt, %rem3A, %lt3A : i32
      %lt3A_38 = arith.constant 0 : i32
      %lt3A_39 = arith.cmpi slt, %select_n3A, %lt3A_38 : i32
      %ne3A_40 = arith.xori %lt3A_37, %lt3A_39 : i1
      %and3A = arith.andi %ne3A_40, %ne3A_36 : i1
      %add3A_41 = arith.addi %rem3A, %select_n3A : i32
      %select_n3A_42 = arith.select %and3A, %add3A_41, %rem3A : i32
      %dma_wait3A = arith.constant 0 : i32
      %dma_wait3A_43 = arith.constant 0 : i32
      %dma_wait3A_44 = tpu.memref_slice %arg8[%select_n3A_42, %dma_wait3A, %dma_wait3A_43] : memref<2x1000x16xf32, #tpu.memory_space<vmem>> -> memref<1x1000x16xf32, #tpu.memory_space<vmem>>
      %dma_wait3A_45 = tpu.memref_squeeze %dma_wait3A_44 : memref<1x1000x16xf32, #tpu.memory_space<vmem>> -> memref<1000x16xf32, #tpu.memory_space<vmem>>
      %dma_wait3A_46 = tpu.memref_slice %arg6[%mul3A_33] : memref<10000xi32, #tpu.memory_space<vmem>> -> memref<1000xi32, #tpu.memory_space<vmem>>
      %dma_wait3A_47 = arith.constant 0 : i32
      %dma_wait3A_48 = arith.constant 0 : i32
      %dma_wait3A_49 = tpu.memref_slice %arg9[%dma_wait3A_47, %dma_wait3A_48] : memref<10240x16xf32, #tpu.memory_space<vmem_shared>> -> memref<10240x16xf32, #tpu.memory_space<vmem_shared>>
      tpu.wait_indirect_dma semaphore(%arg11 : memref<!tpu.dma_semaphore, #tpu.memory_space<semaphore_mem>>) src(%dma_wait3A_49 : memref<10240x16xf32, #tpu.memory_space<vmem_shared>>) dst(%dma_wait3A_45 : memref<1000x16xf32, #tpu.memory_space<vmem>>)
      %add3A_50 = arith.constant 1 : i32
      %add3A_51 = arith.addi %scan3A_31, %add3A_50 : i32
      %lt3A_52 = arith.constant 10 : i32
      %lt3A_53 = arith.cmpi slt, %add3A_51, %lt3A_52 : i32
      %convert_element_type3A = arith.extui %lt3A_53 : i1 to i32
      %cond3A = arith.constant 0 : i32
      %cond3A_54 = arith.cmpi ne, %convert_element_type3A, %cond3A : i32
      scf.if %cond3A_54 {
        %add3A_73 = arith.constant 1 : i32
        %add3A_74 = arith.addi %scan3A_31, %add3A_73 : i32
        %mul3A_75 = arith.constant 1000 : i32
        %mul3A_76 = arith.muli %add3A_74, %mul3A_75 : i32
        %add3A_77 = arith.constant 1 : i32
        %add3A_78 = arith.addi %scan3A_31, %add3A_77 : i32
        %jit3A_79 = arith.constant 2 : i32
        %eq3A_80 = arith.constant 0 : i32
        %eq3A_81 = arith.cmpi eq, %jit3A_79, %eq3A_80 : i32
        %jit3A_82 = arith.constant 1 : i32
        %select_n3A_83 = arith.select %eq3A_81, %jit3A_82, %jit3A_79 : i32
        %rem3A_84 = arith.remsi %add3A_78, %select_n3A_83 : i32
        %ne3A_85 = arith.constant 0 : i32
        %ne3A_86 = arith.cmpi ne, %rem3A_84, %ne3A_85 : i32
        %lt3A_87 = arith.constant 0 : i32
        %lt3A_88 = arith.cmpi slt, %rem3A_84, %lt3A_87 : i32
        %lt3A_89 = arith.constant 0 : i32
        %lt3A_90 = arith.cmpi slt, %select_n3A_83, %lt3A_89 : i32
        %ne3A_91 = arith.xori %lt3A_88, %lt3A_90 : i1
        %and3A_92 = arith.andi %ne3A_91, %ne3A_86 : i1
        %add3A_93 = arith.addi %rem3A_84, %select_n3A_83 : i32
        %select_n3A_94 = arith.select %and3A_92, %add3A_93, %rem3A_84 : i32
        %dma_start3A_95 = arith.constant 0 : i32
        %dma_start3A_96 = arith.constant 0 : i32
        %dma_start3A_97 = tpu.memref_slice %arg8[%select_n3A_94, %dma_start3A_95, %dma_start3A_96] : memref<2x1000x16xf32, #tpu.memory_space<vmem>> -> memref<1x1000x16xf32, #tpu.memory_space<vmem>>
        %dma_start3A_98 = tpu.memref_squeeze %dma_start3A_97 : memref<1x1000x16xf32, #tpu.memory_space<vmem>> -> memref<1000x16xf32, #tpu.memory_space<vmem>>
        %dma_start3A_99 = tpu.memref_slice %arg6[%mul3A_76] : memref<10000xi32, #tpu.memory_space<vmem>> -> memref<1000xi32, #tpu.memory_space<vmem>>
        %dma_start3A_100 = arith.constant 0 : i32
        %dma_start3A_101 = arith.constant 0 : i32
        %dma_start3A_102 = tpu.memref_slice %arg9[%dma_start3A_100, %dma_start3A_101] : memref<10240x16xf32, #tpu.memory_space<vmem_shared>> -> memref<10240x16xf32, #tpu.memory_space<vmem_shared>>
        tpu.enqueue_indirect_dma source(%dma_start3A_102 : memref<10240x16xf32, #tpu.memory_space<vmem_shared>>) target(%dma_start3A_98 : memref<1000x16xf32, #tpu.memory_space<vmem>>) offsets(%dma_start3A_99 : memref<1000xi32, #tpu.memory_space<vmem>>) semaphore(%arg11 : memref<!tpu.dma_semaphore, #tpu.memory_space<semaphore_mem>>)
      } else {
      }
      %jit3A_55 = arith.constant 2 : i32
      %eq3A_56 = arith.constant 0 : i32
      %eq3A_57 = arith.cmpi eq, %jit3A_55, %eq3A_56 : i32
      %jit3A_58 = arith.constant 1 : i32
      %select_n3A_59 = arith.select %eq3A_57, %jit3A_58, %jit3A_55 : i32
      %rem3A_60 = arith.remsi %scan3A_31, %select_n3A_59 : i32
      %ne3A_61 = arith.constant 0 : i32
      %ne3A_62 = arith.cmpi ne, %rem3A_60, %ne3A_61 : i32
      %lt3A_63 = arith.constant 0 : i32
      %lt3A_64 = arith.cmpi slt, %rem3A_60, %lt3A_63 : i32
      %lt3A_65 = arith.constant 0 : i32
      %lt3A_66 = arith.cmpi slt, %select_n3A_59, %lt3A_65 : i32
      %ne3A_67 = arith.xori %lt3A_64, %lt3A_66 : i1
      %and3A_68 = arith.andi %ne3A_67, %ne3A_62 : i1
      %add3A_69 = arith.addi %rem3A_60, %select_n3A_59 : i32
      %select_n3A_70 = arith.select %and3A_68, %add3A_69, %rem3A_60 : i32
      %mul3A_71 = arith.constant 1000 : i32
      %mul3A_72 = arith.muli %scan3A_31, %mul3A_71 : i32
      "tpu.region"() ({
        %run_scoped3A_73 = tpu.sem_alloc : memref<!tpu.dma_semaphore, #tpu.memory_space<semaphore_mem>>
        %dma_start3A_74 = arith.constant 0 : i32
        %dma_start3A_75 = arith.constant 0 : i32
        %dma_start3A_76 = tpu.memref_slice %arg8[%select_n3A_70, %dma_start3A_74, %dma_start3A_75] : memref<2x1000x16xf32, #tpu.memory_space<vmem>> -> memref<1x1000x16xf32, #tpu.memory_space<vmem>>
        %dma_start3A_77 = tpu.memref_squeeze %dma_start3A_76 : memref<1x1000x16xf32, #tpu.memory_space<vmem>> -> memref<1000x16xf32, #tpu.memory_space<vmem>>
        %dma_start3A_78 = tpu.memref_slice %arg7[%mul3A_72] : memref<10000xi32, #tpu.memory_space<vmem>> -> memref<1000xi32, #tpu.memory_space<vmem>>
        %dma_start3A_79 = arith.constant 0 : i32
        %dma_start3A_80 = arith.constant 0 : i32
        %dma_start3A_81 = tpu.memref_slice %arg10[%dma_start3A_79, %dma_start3A_80] : memref<10240x16xf32, #tpu.memory_space<vmem_shared>> -> memref<10240x16xf32, #tpu.memory_space<vmem_shared>>
        tpu.enqueue_indirect_dma source(%dma_start3A_77 : memref<1000x16xf32, #tpu.memory_space<vmem>>) target(%dma_start3A_81 : memref<10240x16xf32, #tpu.memory_space<vmem_shared>>) offsets(%dma_start3A_78 : memref<1000xi32, #tpu.memory_space<vmem>>) semaphore(%run_scoped3A_73 : memref<!tpu.dma_semaphore, #tpu.memory_space<semaphore_mem>>) {add = true}
        %dma_wait3A_82 = arith.constant 0 : i32
        %dma_wait3A_83 = arith.constant 0 : i32
        %dma_wait3A_84 = tpu.memref_slice %arg8[%select_n3A_70, %dma_wait3A_82, %dma_wait3A_83] : memref<2x1000x16xf32, #tpu.memory_space<vmem>> -> memref<1x1000x16xf32, #tpu.memory_space<vmem>>
        %dma_wait3A_85 = tpu.memref_squeeze %dma_wait3A_84 : memref<1x1000x16xf32, #tpu.memory_space<vmem>> -> memref<1000x16xf32, #tpu.memory_space<vmem>>
        %dma_wait3A_86 = tpu.memref_slice %arg7[%mul3A_72] : memref<10000xi32, #tpu.memory_space<vmem>> -> memref<1000xi32, #tpu.memory_space<vmem>>
        %dma_wait3A_87 = arith.constant 0 : i32
        %dma_wait3A_88 = arith.constant 0 : i32
        %dma_wait3A_89 = tpu.memref_slice %arg10[%dma_wait3A_87, %dma_wait3A_88] : memref<10240x16xf32, #tpu.memory_space<vmem_shared>> -> memref<10240x16xf32, #tpu.memory_space<vmem_shared>>
        tpu.wait_indirect_dma semaphore(%run_scoped3A_73 : memref<!tpu.dma_semaphore, #tpu.memory_space<semaphore_mem>>) src(%dma_wait3A_85 : memref<1000x16xf32, #tpu.memory_space<vmem>>) dst(%dma_wait3A_89 : memref<10240x16xf32, #tpu.memory_space<vmem_shared>>)
        tpu.yield
      }) : () -> ()
    }
    %scan3A_25 = arith.constant 10 : i32
    %barrier3A_26 = arith.constant 0 : index
    tpu.barrier barrier_id(%barrier3A_26)
    %mul3A_27 = arith.constant 640 : i32
    %mul3A_28 = arith.muli %arg1, %mul3A_27 : i32
    %mul3A_29 = arith.constant 640 : i32
    %mul3A_30 = arith.muli %arg1, %mul3A_29 : i32
    "tpu.region"() ({
      %run_scoped3A_31 = tpu.sem_alloc : memref<!tpu.dma_semaphore, #tpu.memory_space<semaphore_mem>>
      %dma_start3A_32 = arith.constant 0 : i32
      %dma_start3A_33 = tpu.memref_slice %arg5[%arg0, %mul3A_30, %dma_start3A_32] : memref<2x10240x128xf32, #tpu.memory_space<hbm>> -> memref<1x640x16xf32, #tpu.memory_space<hbm>>
      %dma_start3A_34 = tpu.memref_squeeze %dma_start3A_33 : memref<1x640x16xf32, #tpu.memory_space<hbm>> -> memref<640x16xf32, #tpu.memory_space<hbm>>
      %dma_start3A_35 = arith.constant 0 : i32
      %dma_start3A_36 = tpu.memref_slice %arg10[%mul3A_28, %dma_start3A_35] : memref<10240x16xf32, #tpu.memory_space<vmem_shared>> -> memref<640x16xf32, #tpu.memory_space<vmem_shared>>
      tpu.enqueue_dma source(%dma_start3A_36 : memref<640x16xf32, #tpu.memory_space<vmem_shared>>) target(%dma_start3A_34 : memref<640x16xf32, #tpu.memory_space<hbm>>) target_semaphore(%run_scoped3A_31 : memref<!tpu.dma_semaphore, #tpu.memory_space<semaphore_mem>>)
      %dma_wait3A = arith.constant 0 : i32
      %dma_wait3A_37 = tpu.memref_slice %arg5[%arg0, %mul3A_30, %dma_wait3A] : memref<2x10240x128xf32, #tpu.memory_space<hbm>> -> memref<1x640x16xf32, #tpu.memory_space<hbm>>
      %dma_wait3A_38 = tpu.memref_squeeze %dma_wait3A_37 : memref<1x640x16xf32, #tpu.memory_space<hbm>> -> memref<640x16xf32, #tpu.memory_space<hbm>>
      %dma_wait3A_39 = arith.constant 0 : i32
      %dma_wait3A_40 = tpu.memref_slice %arg10[%mul3A_28, %dma_wait3A_39] : memref<10240x16xf32, #tpu.memory_space<vmem_shared>> -> memref<640x16xf32, #tpu.memory_space<vmem_shared>>
      tpu.wait_dma2 semaphore(%run_scoped3A_31 : memref<!tpu.dma_semaphore, #tpu.memory_space<semaphore_mem>>) src(%dma_wait3A_40 : memref<640x16xf32, #tpu.memory_space<vmem_shared>>) dst(%dma_wait3A_38 : memref<640x16xf32, #tpu.memory_space<hbm>>)
      tpu.yield
    }) : () -> ()
    return
  }
}

#map = affine_map<(d0, d1) -> (0, 0)>
#map1 = affine_map<(d0, d1) -> (0, 0, 0)>
module attributes {stable_mosaic.version = 14 : i64} {
  func.func @prop_kernel(%arg0: i32, %arg1: i32, %arg2: memref<10240x128xf32, #tpu.memory_space<hbm>>, %arg3: memref<2x320000xi32, #tpu.memory_space<hbm>>, %arg4: memref<640x64xf32, #tpu.memory_space<hbm>>, %arg5: memref<2x10240x128xf32, #tpu.memory_space<hbm>>, %arg6: memref<10000xi32, #tpu.memory_space<vmem>>, %arg7: memref<10000xi32, #tpu.memory_space<vmem>>, %arg8: memref<2x200x64xf32, #tpu.memory_space<vmem>>, %arg9: memref<10240x64xf32, #tpu.memory_space<vmem_shared>>, %arg10: memref<10240x64xf32, #tpu.memory_space<vmem_shared>>, %arg11: memref<!tpu.dma_semaphore, #tpu.memory_space<semaphore_mem>>) attributes {dimension_semantics = [#tpu.dimension_semantics<core_parallel>, #tpu.dimension_semantics<subcore_parallel>], iteration_bounds = array<i64: 2, 16>, scalar_prefetch = 0 : i64, scratch_operands = 6 : i64, tpu.core_type = #tpu.core_type<sc_vector_subcore>, window_params = [{transform_indices = #map}, {transform_indices = #map}, {transform_indices = #map}, {transform_indices = #map1}]} {
    %mul3A = arith.constant 2 : i32
    %mul3A_0 = arith.muli %arg1, %mul3A : i32
    %add3A = arith.addi %mul3A_0, %arg0 : i32
    %mul3A_1 = arith.constant 10000 : i32
    %mul3A_2 = arith.muli %add3A, %mul3A_1 : i32
    %run_scoped3A = arith.constant 0 : i32
    "tpu.region"() ({
      %run_scoped3A_59 = tpu.sem_alloc : memref<!tpu.dma_semaphore, #tpu.memory_space<semaphore_mem>>
      %dma_start3A_60 = tpu.memref_slice %arg3[%run_scoped3A, %mul3A_2] : memref<2x320000xi32, #tpu.memory_space<hbm>> -> memref<1x10000xi32, #tpu.memory_space<hbm>>
      %dma_start3A_61 = tpu.memref_squeeze %dma_start3A_60 : memref<1x10000xi32, #tpu.memory_space<hbm>> -> memref<10000xi32, #tpu.memory_space<hbm>>
      %dma_start3A_62 = tpu.memref_slice %arg3[%run_scoped3A, %mul3A_2] : memref<2x320000xi32, #tpu.memory_space<hbm>> -> memref<1x10000xi32, #tpu.memory_space<hbm>>
      %dma_start3A_63 = tpu.memref_squeeze %dma_start3A_62 : memref<1x10000xi32, #tpu.memory_space<hbm>> -> memref<10000xi32, #tpu.memory_space<hbm>>
      tpu.enqueue_dma source(%dma_start3A_63 : memref<10000xi32, #tpu.memory_space<hbm>>) target(%arg6 : memref<10000xi32, #tpu.memory_space<vmem>>) target_semaphore(%run_scoped3A_59 : memref<!tpu.dma_semaphore, #tpu.memory_space<semaphore_mem>>)
      %dma_wait3A = tpu.memref_slice %arg3[%run_scoped3A, %mul3A_2] : memref<2x320000xi32, #tpu.memory_space<hbm>> -> memref<1x10000xi32, #tpu.memory_space<hbm>>
      %dma_wait3A_64 = tpu.memref_squeeze %dma_wait3A : memref<1x10000xi32, #tpu.memory_space<hbm>> -> memref<10000xi32, #tpu.memory_space<hbm>>
      %dma_wait3A_65 = tpu.memref_slice %arg3[%run_scoped3A, %mul3A_2] : memref<2x320000xi32, #tpu.memory_space<hbm>> -> memref<1x10000xi32, #tpu.memory_space<hbm>>
      %dma_wait3A_66 = tpu.memref_squeeze %dma_wait3A_65 : memref<1x10000xi32, #tpu.memory_space<hbm>> -> memref<10000xi32, #tpu.memory_space<hbm>>
      tpu.wait_dma2 semaphore(%run_scoped3A_59 : memref<!tpu.dma_semaphore, #tpu.memory_space<semaphore_mem>>) src(%dma_wait3A_66 : memref<10000xi32, #tpu.memory_space<hbm>>) dst(%arg6 : memref<10000xi32, #tpu.memory_space<vmem>>)
      tpu.yield
    }) : () -> ()
    %mul3A_3 = arith.constant 10000 : i32
    %mul3A_4 = arith.muli %add3A, %mul3A_3 : i32
    %run_scoped3A_5 = arith.constant 1 : i32
    "tpu.region"() ({
      %run_scoped3A_59 = tpu.sem_alloc : memref<!tpu.dma_semaphore, #tpu.memory_space<semaphore_mem>>
      %dma_start3A_60 = tpu.memref_slice %arg3[%run_scoped3A_5, %mul3A_4] : memref<2x320000xi32, #tpu.memory_space<hbm>> -> memref<1x10000xi32, #tpu.memory_space<hbm>>
      %dma_start3A_61 = tpu.memref_squeeze %dma_start3A_60 : memref<1x10000xi32, #tpu.memory_space<hbm>> -> memref<10000xi32, #tpu.memory_space<hbm>>
      %dma_start3A_62 = tpu.memref_slice %arg3[%run_scoped3A_5, %mul3A_4] : memref<2x320000xi32, #tpu.memory_space<hbm>> -> memref<1x10000xi32, #tpu.memory_space<hbm>>
      %dma_start3A_63 = tpu.memref_squeeze %dma_start3A_62 : memref<1x10000xi32, #tpu.memory_space<hbm>> -> memref<10000xi32, #tpu.memory_space<hbm>>
      tpu.enqueue_dma source(%dma_start3A_63 : memref<10000xi32, #tpu.memory_space<hbm>>) target(%arg7 : memref<10000xi32, #tpu.memory_space<vmem>>) target_semaphore(%run_scoped3A_59 : memref<!tpu.dma_semaphore, #tpu.memory_space<semaphore_mem>>)
      %dma_wait3A = tpu.memref_slice %arg3[%run_scoped3A_5, %mul3A_4] : memref<2x320000xi32, #tpu.memory_space<hbm>> -> memref<1x10000xi32, #tpu.memory_space<hbm>>
      %dma_wait3A_64 = tpu.memref_squeeze %dma_wait3A : memref<1x10000xi32, #tpu.memory_space<hbm>> -> memref<10000xi32, #tpu.memory_space<hbm>>
      %dma_wait3A_65 = tpu.memref_slice %arg3[%run_scoped3A_5, %mul3A_4] : memref<2x320000xi32, #tpu.memory_space<hbm>> -> memref<1x10000xi32, #tpu.memory_space<hbm>>
      %dma_wait3A_66 = tpu.memref_squeeze %dma_wait3A_65 : memref<1x10000xi32, #tpu.memory_space<hbm>> -> memref<10000xi32, #tpu.memory_space<hbm>>
      tpu.wait_dma2 semaphore(%run_scoped3A_59 : memref<!tpu.dma_semaphore, #tpu.memory_space<semaphore_mem>>) src(%dma_wait3A_66 : memref<10000xi32, #tpu.memory_space<hbm>>) dst(%arg7 : memref<10000xi32, #tpu.memory_space<vmem>>)
      tpu.yield
    }) : () -> ()
    %mul3A_6 = arith.constant 640 : i32
    %mul3A_7 = arith.muli %arg1, %mul3A_6 : i32
    %mul3A_8 = arith.constant 640 : i32
    %mul3A_9 = arith.muli %arg1, %mul3A_8 : i32
    "tpu.region"() ({
      %run_scoped3A_59 = tpu.sem_alloc : memref<!tpu.dma_semaphore, #tpu.memory_space<semaphore_mem>>
      %dma_start3A_60 = arith.constant 0 : i32
      %dma_start3A_61 = tpu.memref_slice %arg9[%mul3A_9, %dma_start3A_60] : memref<10240x64xf32, #tpu.memory_space<vmem_shared>> -> memref<640x64xf32, #tpu.memory_space<vmem_shared>>
      %dma_start3A_62 = arith.constant 0 : i32
      %dma_start3A_63 = tpu.memref_slice %arg2[%mul3A_7, %dma_start3A_62] : memref<10240x128xf32, #tpu.memory_space<hbm>> -> memref<640x64xf32, #tpu.memory_space<hbm>>
      tpu.enqueue_dma source(%dma_start3A_63 : memref<640x64xf32, #tpu.memory_space<hbm>>) target(%dma_start3A_61 : memref<640x64xf32, #tpu.memory_space<vmem_shared>>) target_semaphore(%run_scoped3A_59 : memref<!tpu.dma_semaphore, #tpu.memory_space<semaphore_mem>>)
      %dma_wait3A = arith.constant 0 : i32
      %dma_wait3A_64 = tpu.memref_slice %arg9[%mul3A_9, %dma_wait3A] : memref<10240x64xf32, #tpu.memory_space<vmem_shared>> -> memref<640x64xf32, #tpu.memory_space<vmem_shared>>
      %dma_wait3A_65 = arith.constant 0 : i32
      %dma_wait3A_66 = tpu.memref_slice %arg2[%mul3A_7, %dma_wait3A_65] : memref<10240x128xf32, #tpu.memory_space<hbm>> -> memref<640x64xf32, #tpu.memory_space<hbm>>
      tpu.wait_dma2 semaphore(%run_scoped3A_59 : memref<!tpu.dma_semaphore, #tpu.memory_space<semaphore_mem>>) src(%dma_wait3A_66 : memref<640x64xf32, #tpu.memory_space<hbm>>) dst(%dma_wait3A_64 : memref<640x64xf32, #tpu.memory_space<vmem_shared>>)
      tpu.yield
    }) : () -> ()
    %mul3A_10 = arith.constant 640 : i32
    %mul3A_11 = arith.muli %arg1, %mul3A_10 : i32
    "tpu.region"() ({
      %run_scoped3A_59 = tpu.sem_alloc : memref<!tpu.dma_semaphore, #tpu.memory_space<semaphore_mem>>
      %dma_start3A_60 = arith.constant 0 : i32
      %dma_start3A_61 = tpu.memref_slice %arg10[%mul3A_11, %dma_start3A_60] : memref<10240x64xf32, #tpu.memory_space<vmem_shared>> -> memref<640x64xf32, #tpu.memory_space<vmem_shared>>
      tpu.enqueue_dma source(%arg4 : memref<640x64xf32, #tpu.memory_space<hbm>>) target(%dma_start3A_61 : memref<640x64xf32, #tpu.memory_space<vmem_shared>>) target_semaphore(%run_scoped3A_59 : memref<!tpu.dma_semaphore, #tpu.memory_space<semaphore_mem>>)
      %dma_wait3A = arith.constant 0 : i32
      %dma_wait3A_62 = tpu.memref_slice %arg10[%mul3A_11, %dma_wait3A] : memref<10240x64xf32, #tpu.memory_space<vmem_shared>> -> memref<640x64xf32, #tpu.memory_space<vmem_shared>>
      tpu.wait_dma2 semaphore(%run_scoped3A_59 : memref<!tpu.dma_semaphore, #tpu.memory_space<semaphore_mem>>) src(%arg4 : memref<640x64xf32, #tpu.memory_space<hbm>>) dst(%dma_wait3A_62 : memref<640x64xf32, #tpu.memory_space<vmem_shared>>)
      tpu.yield
    }) : () -> ()
    %barrier3A = arith.constant 0 : index
    tpu.barrier barrier_id(%barrier3A)
    %dma_start3A = arith.constant 0 : i32
    %dma_start3A_12 = arith.constant 0 : i32
    %dma_start3A_13 = arith.constant 0 : i32
    %dma_start3A_14 = tpu.memref_slice %arg8[%dma_start3A, %dma_start3A_12, %dma_start3A_13] : memref<2x200x64xf32, #tpu.memory_space<vmem>> -> memref<1x200x64xf32, #tpu.memory_space<vmem>>
    %dma_start3A_15 = tpu.memref_squeeze %dma_start3A_14 : memref<1x200x64xf32, #tpu.memory_space<vmem>> -> memref<200x64xf32, #tpu.memory_space<vmem>>
    %dma_start3A_16 = arith.constant 0 : i32
    %dma_start3A_17 = tpu.memref_slice %arg6[%dma_start3A_16] : memref<10000xi32, #tpu.memory_space<vmem>> -> memref<200xi32, #tpu.memory_space<vmem>>
    %dma_start3A_18 = arith.constant 0 : i32
    %dma_start3A_19 = arith.constant 0 : i32
    %dma_start3A_20 = tpu.memref_slice %arg9[%dma_start3A_18, %dma_start3A_19] : memref<10240x64xf32, #tpu.memory_space<vmem_shared>> -> memref<10240x64xf32, #tpu.memory_space<vmem_shared>>
    tpu.enqueue_indirect_dma source(%dma_start3A_20 : memref<10240x64xf32, #tpu.memory_space<vmem_shared>>) target(%dma_start3A_15 : memref<200x64xf32, #tpu.memory_space<vmem>>) offsets(%dma_start3A_17 : memref<200xi32, #tpu.memory_space<vmem>>) semaphore(%arg11 : memref<!tpu.dma_semaphore, #tpu.memory_space<semaphore_mem>>)
    %scan3A = arith.constant 0 : i32
    %scan3A_21 = arith.constant 0 : i32
    %scan3A_22 = arith.constant 50 : i32
    %scan3A_23 = arith.addi %scan3A_21, %scan3A_22 : i32
    %scan3A_24 = arith.constant 1 : i32
    scf.for %scan3A_59 = %scan3A_21 to %scan3A_23 step %scan3A_24  : i32 {
      %mul3A_60 = arith.constant 200 : i32
      %mul3A_61 = arith.muli %scan3A_59, %mul3A_60 : i32
      %jit3A = arith.constant 2 : i32
      %eq3A = arith.constant 0 : i32
      %eq3A_62 = arith.cmpi eq, %jit3A, %eq3A : i32
      %jit3A_63 = arith.constant 1 : i32
      %select_n3A = arith.select %eq3A_62, %jit3A_63, %jit3A : i32
      %rem3A = arith.remsi %scan3A_59, %select_n3A : i32
      %ne3A = arith.constant 0 : i32
      %ne3A_64 = arith.cmpi ne, %rem3A, %ne3A : i32
      %lt3A = arith.constant 0 : i32
      %lt3A_65 = arith.cmpi slt, %rem3A, %lt3A : i32
      %lt3A_66 = arith.constant 0 : i32
      %lt3A_67 = arith.cmpi slt, %select_n3A, %lt3A_66 : i32
      %ne3A_68 = arith.xori %lt3A_65, %lt3A_67 : i1
      %and3A = arith.andi %ne3A_68, %ne3A_64 : i1
      %add3A_69 = arith.addi %rem3A, %select_n3A : i32
      %select_n3A_70 = arith.select %and3A, %add3A_69, %rem3A : i32
      %dma_wait3A = arith.constant 0 : i32
      %dma_wait3A_71 = arith.constant 0 : i32
      %dma_wait3A_72 = tpu.memref_slice %arg8[%select_n3A_70, %dma_wait3A, %dma_wait3A_71] : memref<2x200x64xf32, #tpu.memory_space<vmem>> -> memref<1x200x64xf32, #tpu.memory_space<vmem>>
      %dma_wait3A_73 = tpu.memref_squeeze %dma_wait3A_72 : memref<1x200x64xf32, #tpu.memory_space<vmem>> -> memref<200x64xf32, #tpu.memory_space<vmem>>
      %dma_wait3A_74 = tpu.memref_slice %arg6[%mul3A_61] : memref<10000xi32, #tpu.memory_space<vmem>> -> memref<200xi32, #tpu.memory_space<vmem>>
      %dma_wait3A_75 = arith.constant 0 : i32
      %dma_wait3A_76 = arith.constant 0 : i32
      %dma_wait3A_77 = tpu.memref_slice %arg9[%dma_wait3A_75, %dma_wait3A_76] : memref<10240x64xf32, #tpu.memory_space<vmem_shared>> -> memref<10240x64xf32, #tpu.memory_space<vmem_shared>>
      tpu.wait_indirect_dma semaphore(%arg11 : memref<!tpu.dma_semaphore, #tpu.memory_space<semaphore_mem>>) src(%dma_wait3A_77 : memref<10240x64xf32, #tpu.memory_space<vmem_shared>>) dst(%dma_wait3A_73 : memref<200x64xf32, #tpu.memory_space<vmem>>)
      %add3A_78 = arith.constant 1 : i32
      %add3A_79 = arith.addi %scan3A_59, %add3A_78 : i32
      %lt3A_80 = arith.constant 50 : i32
      %lt3A_81 = arith.cmpi slt, %add3A_79, %lt3A_80 : i32
      %convert_element_type3A = arith.extui %lt3A_81 : i1 to i32
      %cond3A = arith.constant 0 : i32
      %cond3A_82 = arith.cmpi ne, %convert_element_type3A, %cond3A : i32
      scf.if %cond3A_82 {
        %add3A_101 = arith.constant 1 : i32
        %add3A_102 = arith.addi %scan3A_59, %add3A_101 : i32
        %mul3A_103 = arith.constant 200 : i32
        %mul3A_104 = arith.muli %add3A_102, %mul3A_103 : i32
        %add3A_105 = arith.constant 1 : i32
        %add3A_106 = arith.addi %scan3A_59, %add3A_105 : i32
        %jit3A_107 = arith.constant 2 : i32
        %eq3A_108 = arith.constant 0 : i32
        %eq3A_109 = arith.cmpi eq, %jit3A_107, %eq3A_108 : i32
        %jit3A_110 = arith.constant 1 : i32
        %select_n3A_111 = arith.select %eq3A_109, %jit3A_110, %jit3A_107 : i32
        %rem3A_112 = arith.remsi %add3A_106, %select_n3A_111 : i32
        %ne3A_113 = arith.constant 0 : i32
        %ne3A_114 = arith.cmpi ne, %rem3A_112, %ne3A_113 : i32
        %lt3A_115 = arith.constant 0 : i32
        %lt3A_116 = arith.cmpi slt, %rem3A_112, %lt3A_115 : i32
        %lt3A_117 = arith.constant 0 : i32
        %lt3A_118 = arith.cmpi slt, %select_n3A_111, %lt3A_117 : i32
        %ne3A_119 = arith.xori %lt3A_116, %lt3A_118 : i1
        %and3A_120 = arith.andi %ne3A_119, %ne3A_114 : i1
        %add3A_121 = arith.addi %rem3A_112, %select_n3A_111 : i32
        %select_n3A_122 = arith.select %and3A_120, %add3A_121, %rem3A_112 : i32
        %dma_start3A_123 = arith.constant 0 : i32
        %dma_start3A_124 = arith.constant 0 : i32
        %dma_start3A_125 = tpu.memref_slice %arg8[%select_n3A_122, %dma_start3A_123, %dma_start3A_124] : memref<2x200x64xf32, #tpu.memory_space<vmem>> -> memref<1x200x64xf32, #tpu.memory_space<vmem>>
        %dma_start3A_126 = tpu.memref_squeeze %dma_start3A_125 : memref<1x200x64xf32, #tpu.memory_space<vmem>> -> memref<200x64xf32, #tpu.memory_space<vmem>>
        %dma_start3A_127 = tpu.memref_slice %arg6[%mul3A_104] : memref<10000xi32, #tpu.memory_space<vmem>> -> memref<200xi32, #tpu.memory_space<vmem>>
        %dma_start3A_128 = arith.constant 0 : i32
        %dma_start3A_129 = arith.constant 0 : i32
        %dma_start3A_130 = tpu.memref_slice %arg9[%dma_start3A_128, %dma_start3A_129] : memref<10240x64xf32, #tpu.memory_space<vmem_shared>> -> memref<10240x64xf32, #tpu.memory_space<vmem_shared>>
        tpu.enqueue_indirect_dma source(%dma_start3A_130 : memref<10240x64xf32, #tpu.memory_space<vmem_shared>>) target(%dma_start3A_126 : memref<200x64xf32, #tpu.memory_space<vmem>>) offsets(%dma_start3A_127 : memref<200xi32, #tpu.memory_space<vmem>>) semaphore(%arg11 : memref<!tpu.dma_semaphore, #tpu.memory_space<semaphore_mem>>)
      } else {
      }
      %jit3A_83 = arith.constant 2 : i32
      %eq3A_84 = arith.constant 0 : i32
      %eq3A_85 = arith.cmpi eq, %jit3A_83, %eq3A_84 : i32
      %jit3A_86 = arith.constant 1 : i32
      %select_n3A_87 = arith.select %eq3A_85, %jit3A_86, %jit3A_83 : i32
      %rem3A_88 = arith.remsi %scan3A_59, %select_n3A_87 : i32
      %ne3A_89 = arith.constant 0 : i32
      %ne3A_90 = arith.cmpi ne, %rem3A_88, %ne3A_89 : i32
      %lt3A_91 = arith.constant 0 : i32
      %lt3A_92 = arith.cmpi slt, %rem3A_88, %lt3A_91 : i32
      %lt3A_93 = arith.constant 0 : i32
      %lt3A_94 = arith.cmpi slt, %select_n3A_87, %lt3A_93 : i32
      %ne3A_95 = arith.xori %lt3A_92, %lt3A_94 : i1
      %and3A_96 = arith.andi %ne3A_95, %ne3A_90 : i1
      %add3A_97 = arith.addi %rem3A_88, %select_n3A_87 : i32
      %select_n3A_98 = arith.select %and3A_96, %add3A_97, %rem3A_88 : i32
      %mul3A_99 = arith.constant 200 : i32
      %mul3A_100 = arith.muli %scan3A_59, %mul3A_99 : i32
      "tpu.region"() ({
        %run_scoped3A_101 = tpu.sem_alloc : memref<!tpu.dma_semaphore, #tpu.memory_space<semaphore_mem>>
        %dma_start3A_102 = arith.constant 0 : i32
        %dma_start3A_103 = arith.constant 0 : i32
        %dma_start3A_104 = tpu.memref_slice %arg8[%select_n3A_98, %dma_start3A_102, %dma_start3A_103] : memref<2x200x64xf32, #tpu.memory_space<vmem>> -> memref<1x200x64xf32, #tpu.memory_space<vmem>>
        %dma_start3A_105 = tpu.memref_squeeze %dma_start3A_104 : memref<1x200x64xf32, #tpu.memory_space<vmem>> -> memref<200x64xf32, #tpu.memory_space<vmem>>
        %dma_start3A_106 = tpu.memref_slice %arg7[%mul3A_100] : memref<10000xi32, #tpu.memory_space<vmem>> -> memref<200xi32, #tpu.memory_space<vmem>>
        %dma_start3A_107 = arith.constant 0 : i32
        %dma_start3A_108 = arith.constant 0 : i32
        %dma_start3A_109 = tpu.memref_slice %arg10[%dma_start3A_107, %dma_start3A_108] : memref<10240x64xf32, #tpu.memory_space<vmem_shared>> -> memref<10240x64xf32, #tpu.memory_space<vmem_shared>>
        tpu.enqueue_indirect_dma source(%dma_start3A_105 : memref<200x64xf32, #tpu.memory_space<vmem>>) target(%dma_start3A_109 : memref<10240x64xf32, #tpu.memory_space<vmem_shared>>) offsets(%dma_start3A_106 : memref<200xi32, #tpu.memory_space<vmem>>) semaphore(%run_scoped3A_101 : memref<!tpu.dma_semaphore, #tpu.memory_space<semaphore_mem>>) {add = true}
        %dma_wait3A_110 = arith.constant 0 : i32
        %dma_wait3A_111 = arith.constant 0 : i32
        %dma_wait3A_112 = tpu.memref_slice %arg8[%select_n3A_98, %dma_wait3A_110, %dma_wait3A_111] : memref<2x200x64xf32, #tpu.memory_space<vmem>> -> memref<1x200x64xf32, #tpu.memory_space<vmem>>
        %dma_wait3A_113 = tpu.memref_squeeze %dma_wait3A_112 : memref<1x200x64xf32, #tpu.memory_space<vmem>> -> memref<200x64xf32, #tpu.memory_space<vmem>>
        %dma_wait3A_114 = tpu.memref_slice %arg7[%mul3A_100] : memref<10000xi32, #tpu.memory_space<vmem>> -> memref<200xi32, #tpu.memory_space<vmem>>
        %dma_wait3A_115 = arith.constant 0 : i32
        %dma_wait3A_116 = arith.constant 0 : i32
        %dma_wait3A_117 = tpu.memref_slice %arg10[%dma_wait3A_115, %dma_wait3A_116] : memref<10240x64xf32, #tpu.memory_space<vmem_shared>> -> memref<10240x64xf32, #tpu.memory_space<vmem_shared>>
        tpu.wait_indirect_dma semaphore(%run_scoped3A_101 : memref<!tpu.dma_semaphore, #tpu.memory_space<semaphore_mem>>) src(%dma_wait3A_113 : memref<200x64xf32, #tpu.memory_space<vmem>>) dst(%dma_wait3A_117 : memref<10240x64xf32, #tpu.memory_space<vmem_shared>>)
        tpu.yield
      }) : () -> ()
    }
    %scan3A_25 = arith.constant 50 : i32
    %barrier3A_26 = arith.constant 0 : index
    tpu.barrier barrier_id(%barrier3A_26)
    %mul3A_27 = arith.constant 640 : i32
    %mul3A_28 = arith.muli %arg1, %mul3A_27 : i32
    %mul3A_29 = arith.constant 640 : i32
    %mul3A_30 = arith.muli %arg1, %mul3A_29 : i32
    "tpu.region"() ({
      %run_scoped3A_59 = tpu.sem_alloc : memref<!tpu.dma_semaphore, #tpu.memory_space<semaphore_mem>>
      %dma_start3A_60 = arith.constant 0 : i32
      %dma_start3A_61 = tpu.memref_slice %arg5[%arg0, %mul3A_30, %dma_start3A_60] : memref<2x10240x128xf32, #tpu.memory_space<hbm>> -> memref<1x640x64xf32, #tpu.memory_space<hbm>>
      %dma_start3A_62 = tpu.memref_squeeze %dma_start3A_61 : memref<1x640x64xf32, #tpu.memory_space<hbm>> -> memref<640x64xf32, #tpu.memory_space<hbm>>
      %dma_start3A_63 = arith.constant 0 : i32
      %dma_start3A_64 = tpu.memref_slice %arg10[%mul3A_28, %dma_start3A_63] : memref<10240x64xf32, #tpu.memory_space<vmem_shared>> -> memref<640x64xf32, #tpu.memory_space<vmem_shared>>
      tpu.enqueue_dma source(%dma_start3A_64 : memref<640x64xf32, #tpu.memory_space<vmem_shared>>) target(%dma_start3A_62 : memref<640x64xf32, #tpu.memory_space<hbm>>) target_semaphore(%run_scoped3A_59 : memref<!tpu.dma_semaphore, #tpu.memory_space<semaphore_mem>>)
      %dma_wait3A = arith.constant 0 : i32
      %dma_wait3A_65 = tpu.memref_slice %arg5[%arg0, %mul3A_30, %dma_wait3A] : memref<2x10240x128xf32, #tpu.memory_space<hbm>> -> memref<1x640x64xf32, #tpu.memory_space<hbm>>
      %dma_wait3A_66 = tpu.memref_squeeze %dma_wait3A_65 : memref<1x640x64xf32, #tpu.memory_space<hbm>> -> memref<640x64xf32, #tpu.memory_space<hbm>>
      %dma_wait3A_67 = arith.constant 0 : i32
      %dma_wait3A_68 = tpu.memref_slice %arg10[%mul3A_28, %dma_wait3A_67] : memref<10240x64xf32, #tpu.memory_space<vmem_shared>> -> memref<640x64xf32, #tpu.memory_space<vmem_shared>>
      tpu.wait_dma2 semaphore(%run_scoped3A_59 : memref<!tpu.dma_semaphore, #tpu.memory_space<semaphore_mem>>) src(%dma_wait3A_68 : memref<640x64xf32, #tpu.memory_space<vmem_shared>>) dst(%dma_wait3A_66 : memref<640x64xf32, #tpu.memory_space<hbm>>)
      tpu.yield
    }) : () -> ()
    %mul3A_31 = arith.constant 640 : i32
    %mul3A_32 = arith.muli %arg1, %mul3A_31 : i32
    %mul3A_33 = arith.constant 640 : i32
    %mul3A_34 = arith.muli %arg1, %mul3A_33 : i32
    "tpu.region"() ({
      %run_scoped3A_59 = tpu.sem_alloc : memref<!tpu.dma_semaphore, #tpu.memory_space<semaphore_mem>>
      %dma_start3A_60 = arith.constant 0 : i32
      %dma_start3A_61 = tpu.memref_slice %arg9[%mul3A_34, %dma_start3A_60] : memref<10240x64xf32, #tpu.memory_space<vmem_shared>> -> memref<640x64xf32, #tpu.memory_space<vmem_shared>>
      %dma_start3A_62 = arith.constant 64 : i32
      %dma_start3A_63 = tpu.memref_slice %arg2[%mul3A_32, %dma_start3A_62] : memref<10240x128xf32, #tpu.memory_space<hbm>> -> memref<640x64xf32, #tpu.memory_space<hbm>>
      tpu.enqueue_dma source(%dma_start3A_63 : memref<640x64xf32, #tpu.memory_space<hbm>>) target(%dma_start3A_61 : memref<640x64xf32, #tpu.memory_space<vmem_shared>>) target_semaphore(%run_scoped3A_59 : memref<!tpu.dma_semaphore, #tpu.memory_space<semaphore_mem>>)
      %dma_wait3A = arith.constant 0 : i32
      %dma_wait3A_64 = tpu.memref_slice %arg9[%mul3A_34, %dma_wait3A] : memref<10240x64xf32, #tpu.memory_space<vmem_shared>> -> memref<640x64xf32, #tpu.memory_space<vmem_shared>>
      %dma_wait3A_65 = arith.constant 64 : i32
      %dma_wait3A_66 = tpu.memref_slice %arg2[%mul3A_32, %dma_wait3A_65] : memref<10240x128xf32, #tpu.memory_space<hbm>> -> memref<640x64xf32, #tpu.memory_space<hbm>>
      tpu.wait_dma2 semaphore(%run_scoped3A_59 : memref<!tpu.dma_semaphore, #tpu.memory_space<semaphore_mem>>) src(%dma_wait3A_66 : memref<640x64xf32, #tpu.memory_space<hbm>>) dst(%dma_wait3A_64 : memref<640x64xf32, #tpu.memory_space<vmem_shared>>)
      tpu.yield
    }) : () -> ()
    %mul3A_35 = arith.constant 640 : i32
    %mul3A_36 = arith.muli %arg1, %mul3A_35 : i32
    "tpu.region"() ({
      %run_scoped3A_59 = tpu.sem_alloc : memref<!tpu.dma_semaphore, #tpu.memory_space<semaphore_mem>>
      %dma_start3A_60 = arith.constant 0 : i32
      %dma_start3A_61 = tpu.memref_slice %arg10[%mul3A_36, %dma_start3A_60] : memref<10240x64xf32, #tpu.memory_space<vmem_shared>> -> memref<640x64xf32, #tpu.memory_space<vmem_shared>>
      tpu.enqueue_dma source(%arg4 : memref<640x64xf32, #tpu.memory_space<hbm>>) target(%dma_start3A_61 : memref<640x64xf32, #tpu.memory_space<vmem_shared>>) target_semaphore(%run_scoped3A_59 : memref<!tpu.dma_semaphore, #tpu.memory_space<semaphore_mem>>)
      %dma_wait3A = arith.constant 0 : i32
      %dma_wait3A_62 = tpu.memref_slice %arg10[%mul3A_36, %dma_wait3A] : memref<10240x64xf32, #tpu.memory_space<vmem_shared>> -> memref<640x64xf32, #tpu.memory_space<vmem_shared>>
      tpu.wait_dma2 semaphore(%run_scoped3A_59 : memref<!tpu.dma_semaphore, #tpu.memory_space<semaphore_mem>>) src(%arg4 : memref<640x64xf32, #tpu.memory_space<hbm>>) dst(%dma_wait3A_62 : memref<640x64xf32, #tpu.memory_space<vmem_shared>>)
      tpu.yield
    }) : () -> ()
    %barrier3A_37 = arith.constant 0 : index
    tpu.barrier barrier_id(%barrier3A_37)
    %dma_start3A_38 = arith.constant 0 : i32
    %dma_start3A_39 = arith.constant 0 : i32
    %dma_start3A_40 = arith.constant 0 : i32
    %dma_start3A_41 = tpu.memref_slice %arg8[%dma_start3A_38, %dma_start3A_39, %dma_start3A_40] : memref<2x200x64xf32, #tpu.memory_space<vmem>> -> memref<1x200x64xf32, #tpu.memory_space<vmem>>
    %dma_start3A_42 = tpu.memref_squeeze %dma_start3A_41 : memref<1x200x64xf32, #tpu.memory_space<vmem>> -> memref<200x64xf32, #tpu.memory_space<vmem>>
    %dma_start3A_43 = arith.constant 0 : i32
    %dma_start3A_44 = tpu.memref_slice %arg6[%dma_start3A_43] : memref<10000xi32, #tpu.memory_space<vmem>> -> memref<200xi32, #tpu.memory_space<vmem>>
    %dma_start3A_45 = arith.constant 0 : i32
    %dma_start3A_46 = arith.constant 0 : i32
    %dma_start3A_47 = tpu.memref_slice %arg9[%dma_start3A_45, %dma_start3A_46] : memref<10240x64xf32, #tpu.memory_space<vmem_shared>> -> memref<10240x64xf32, #tpu.memory_space<vmem_shared>>
    tpu.enqueue_indirect_dma source(%dma_start3A_47 : memref<10240x64xf32, #tpu.memory_space<vmem_shared>>) target(%dma_start3A_42 : memref<200x64xf32, #tpu.memory_space<vmem>>) offsets(%dma_start3A_44 : memref<200xi32, #tpu.memory_space<vmem>>) semaphore(%arg11 : memref<!tpu.dma_semaphore, #tpu.memory_space<semaphore_mem>>)
    %scan3A_48 = arith.constant 0 : i32
    %scan3A_49 = arith.constant 0 : i32
    %scan3A_50 = arith.constant 50 : i32
    %scan3A_51 = arith.addi %scan3A_49, %scan3A_50 : i32
    %scan3A_52 = arith.constant 1 : i32
    scf.for %scan3A_59 = %scan3A_49 to %scan3A_51 step %scan3A_52  : i32 {
      %mul3A_60 = arith.constant 200 : i32
      %mul3A_61 = arith.muli %scan3A_59, %mul3A_60 : i32
      %jit3A = arith.constant 2 : i32
      %eq3A = arith.constant 0 : i32
      %eq3A_62 = arith.cmpi eq, %jit3A, %eq3A : i32
      %jit3A_63 = arith.constant 1 : i32
      %select_n3A = arith.select %eq3A_62, %jit3A_63, %jit3A : i32
      %rem3A = arith.remsi %scan3A_59, %select_n3A : i32
      %ne3A = arith.constant 0 : i32
      %ne3A_64 = arith.cmpi ne, %rem3A, %ne3A : i32
      %lt3A = arith.constant 0 : i32
      %lt3A_65 = arith.cmpi slt, %rem3A, %lt3A : i32
      %lt3A_66 = arith.constant 0 : i32
      %lt3A_67 = arith.cmpi slt, %select_n3A, %lt3A_66 : i32
      %ne3A_68 = arith.xori %lt3A_65, %lt3A_67 : i1
      %and3A = arith.andi %ne3A_68, %ne3A_64 : i1
      %add3A_69 = arith.addi %rem3A, %select_n3A : i32
      %select_n3A_70 = arith.select %and3A, %add3A_69, %rem3A : i32
      %dma_wait3A = arith.constant 0 : i32
      %dma_wait3A_71 = arith.constant 0 : i32
      %dma_wait3A_72 = tpu.memref_slice %arg8[%select_n3A_70, %dma_wait3A, %dma_wait3A_71] : memref<2x200x64xf32, #tpu.memory_space<vmem>> -> memref<1x200x64xf32, #tpu.memory_space<vmem>>
      %dma_wait3A_73 = tpu.memref_squeeze %dma_wait3A_72 : memref<1x200x64xf32, #tpu.memory_space<vmem>> -> memref<200x64xf32, #tpu.memory_space<vmem>>
      %dma_wait3A_74 = tpu.memref_slice %arg6[%mul3A_61] : memref<10000xi32, #tpu.memory_space<vmem>> -> memref<200xi32, #tpu.memory_space<vmem>>
      %dma_wait3A_75 = arith.constant 0 : i32
      %dma_wait3A_76 = arith.constant 0 : i32
      %dma_wait3A_77 = tpu.memref_slice %arg9[%dma_wait3A_75, %dma_wait3A_76] : memref<10240x64xf32, #tpu.memory_space<vmem_shared>> -> memref<10240x64xf32, #tpu.memory_space<vmem_shared>>
      tpu.wait_indirect_dma semaphore(%arg11 : memref<!tpu.dma_semaphore, #tpu.memory_space<semaphore_mem>>) src(%dma_wait3A_77 : memref<10240x64xf32, #tpu.memory_space<vmem_shared>>) dst(%dma_wait3A_73 : memref<200x64xf32, #tpu.memory_space<vmem>>)
      %add3A_78 = arith.constant 1 : i32
      %add3A_79 = arith.addi %scan3A_59, %add3A_78 : i32
      %lt3A_80 = arith.constant 50 : i32
      %lt3A_81 = arith.cmpi slt, %add3A_79, %lt3A_80 : i32
      %convert_element_type3A = arith.extui %lt3A_81 : i1 to i32
      %cond3A = arith.constant 0 : i32
      %cond3A_82 = arith.cmpi ne, %convert_element_type3A, %cond3A : i32
      scf.if %cond3A_82 {
        %add3A_101 = arith.constant 1 : i32
        %add3A_102 = arith.addi %scan3A_59, %add3A_101 : i32
        %mul3A_103 = arith.constant 200 : i32
        %mul3A_104 = arith.muli %add3A_102, %mul3A_103 : i32
        %add3A_105 = arith.constant 1 : i32
        %add3A_106 = arith.addi %scan3A_59, %add3A_105 : i32
        %jit3A_107 = arith.constant 2 : i32
        %eq3A_108 = arith.constant 0 : i32
        %eq3A_109 = arith.cmpi eq, %jit3A_107, %eq3A_108 : i32
        %jit3A_110 = arith.constant 1 : i32
        %select_n3A_111 = arith.select %eq3A_109, %jit3A_110, %jit3A_107 : i32
        %rem3A_112 = arith.remsi %add3A_106, %select_n3A_111 : i32
        %ne3A_113 = arith.constant 0 : i32
        %ne3A_114 = arith.cmpi ne, %rem3A_112, %ne3A_113 : i32
        %lt3A_115 = arith.constant 0 : i32
        %lt3A_116 = arith.cmpi slt, %rem3A_112, %lt3A_115 : i32
        %lt3A_117 = arith.constant 0 : i32
        %lt3A_118 = arith.cmpi slt, %select_n3A_111, %lt3A_117 : i32
        %ne3A_119 = arith.xori %lt3A_116, %lt3A_118 : i1
        %and3A_120 = arith.andi %ne3A_119, %ne3A_114 : i1
        %add3A_121 = arith.addi %rem3A_112, %select_n3A_111 : i32
        %select_n3A_122 = arith.select %and3A_120, %add3A_121, %rem3A_112 : i32
        %dma_start3A_123 = arith.constant 0 : i32
        %dma_start3A_124 = arith.constant 0 : i32
        %dma_start3A_125 = tpu.memref_slice %arg8[%select_n3A_122, %dma_start3A_123, %dma_start3A_124] : memref<2x200x64xf32, #tpu.memory_space<vmem>> -> memref<1x200x64xf32, #tpu.memory_space<vmem>>
        %dma_start3A_126 = tpu.memref_squeeze %dma_start3A_125 : memref<1x200x64xf32, #tpu.memory_space<vmem>> -> memref<200x64xf32, #tpu.memory_space<vmem>>
        %dma_start3A_127 = tpu.memref_slice %arg6[%mul3A_104] : memref<10000xi32, #tpu.memory_space<vmem>> -> memref<200xi32, #tpu.memory_space<vmem>>
        %dma_start3A_128 = arith.constant 0 : i32
        %dma_start3A_129 = arith.constant 0 : i32
        %dma_start3A_130 = tpu.memref_slice %arg9[%dma_start3A_128, %dma_start3A_129] : memref<10240x64xf32, #tpu.memory_space<vmem_shared>> -> memref<10240x64xf32, #tpu.memory_space<vmem_shared>>
        tpu.enqueue_indirect_dma source(%dma_start3A_130 : memref<10240x64xf32, #tpu.memory_space<vmem_shared>>) target(%dma_start3A_126 : memref<200x64xf32, #tpu.memory_space<vmem>>) offsets(%dma_start3A_127 : memref<200xi32, #tpu.memory_space<vmem>>) semaphore(%arg11 : memref<!tpu.dma_semaphore, #tpu.memory_space<semaphore_mem>>)
      } else {
      }
      %jit3A_83 = arith.constant 2 : i32
      %eq3A_84 = arith.constant 0 : i32
      %eq3A_85 = arith.cmpi eq, %jit3A_83, %eq3A_84 : i32
      %jit3A_86 = arith.constant 1 : i32
      %select_n3A_87 = arith.select %eq3A_85, %jit3A_86, %jit3A_83 : i32
      %rem3A_88 = arith.remsi %scan3A_59, %select_n3A_87 : i32
      %ne3A_89 = arith.constant 0 : i32
      %ne3A_90 = arith.cmpi ne, %rem3A_88, %ne3A_89 : i32
      %lt3A_91 = arith.constant 0 : i32
      %lt3A_92 = arith.cmpi slt, %rem3A_88, %lt3A_91 : i32
      %lt3A_93 = arith.constant 0 : i32
      %lt3A_94 = arith.cmpi slt, %select_n3A_87, %lt3A_93 : i32
      %ne3A_95 = arith.xori %lt3A_92, %lt3A_94 : i1
      %and3A_96 = arith.andi %ne3A_95, %ne3A_90 : i1
      %add3A_97 = arith.addi %rem3A_88, %select_n3A_87 : i32
      %select_n3A_98 = arith.select %and3A_96, %add3A_97, %rem3A_88 : i32
      %mul3A_99 = arith.constant 200 : i32
      %mul3A_100 = arith.muli %scan3A_59, %mul3A_99 : i32
      "tpu.region"() ({
        %run_scoped3A_101 = tpu.sem_alloc : memref<!tpu.dma_semaphore, #tpu.memory_space<semaphore_mem>>
        %dma_start3A_102 = arith.constant 0 : i32
        %dma_start3A_103 = arith.constant 0 : i32
        %dma_start3A_104 = tpu.memref_slice %arg8[%select_n3A_98, %dma_start3A_102, %dma_start3A_103] : memref<2x200x64xf32, #tpu.memory_space<vmem>> -> memref<1x200x64xf32, #tpu.memory_space<vmem>>
        %dma_start3A_105 = tpu.memref_squeeze %dma_start3A_104 : memref<1x200x64xf32, #tpu.memory_space<vmem>> -> memref<200x64xf32, #tpu.memory_space<vmem>>
        %dma_start3A_106 = tpu.memref_slice %arg7[%mul3A_100] : memref<10000xi32, #tpu.memory_space<vmem>> -> memref<200xi32, #tpu.memory_space<vmem>>
        %dma_start3A_107 = arith.constant 0 : i32
        %dma_start3A_108 = arith.constant 0 : i32
        %dma_start3A_109 = tpu.memref_slice %arg10[%dma_start3A_107, %dma_start3A_108] : memref<10240x64xf32, #tpu.memory_space<vmem_shared>> -> memref<10240x64xf32, #tpu.memory_space<vmem_shared>>
        tpu.enqueue_indirect_dma source(%dma_start3A_105 : memref<200x64xf32, #tpu.memory_space<vmem>>) target(%dma_start3A_109 : memref<10240x64xf32, #tpu.memory_space<vmem_shared>>) offsets(%dma_start3A_106 : memref<200xi32, #tpu.memory_space<vmem>>) semaphore(%run_scoped3A_101 : memref<!tpu.dma_semaphore, #tpu.memory_space<semaphore_mem>>) {add = true}
        %dma_wait3A_110 = arith.constant 0 : i32
        %dma_wait3A_111 = arith.constant 0 : i32
        %dma_wait3A_112 = tpu.memref_slice %arg8[%select_n3A_98, %dma_wait3A_110, %dma_wait3A_111] : memref<2x200x64xf32, #tpu.memory_space<vmem>> -> memref<1x200x64xf32, #tpu.memory_space<vmem>>
        %dma_wait3A_113 = tpu.memref_squeeze %dma_wait3A_112 : memref<1x200x64xf32, #tpu.memory_space<vmem>> -> memref<200x64xf32, #tpu.memory_space<vmem>>
        %dma_wait3A_114 = tpu.memref_slice %arg7[%mul3A_100] : memref<10000xi32, #tpu.memory_space<vmem>> -> memref<200xi32, #tpu.memory_space<vmem>>
        %dma_wait3A_115 = arith.constant 0 : i32
        %dma_wait3A_116 = arith.constant 0 : i32
        %dma_wait3A_117 = tpu.memref_slice %arg10[%dma_wait3A_115, %dma_wait3A_116] : memref<10240x64xf32, #tpu.memory_space<vmem_shared>> -> memref<10240x64xf32, #tpu.memory_space<vmem_shared>>
        tpu.wait_indirect_dma semaphore(%run_scoped3A_101 : memref<!tpu.dma_semaphore, #tpu.memory_space<semaphore_mem>>) src(%dma_wait3A_113 : memref<200x64xf32, #tpu.memory_space<vmem>>) dst(%dma_wait3A_117 : memref<10240x64xf32, #tpu.memory_space<vmem_shared>>)
        tpu.yield
      }) : () -> ()
    }
    %scan3A_53 = arith.constant 50 : i32
    %barrier3A_54 = arith.constant 0 : index
    tpu.barrier barrier_id(%barrier3A_54)
    %mul3A_55 = arith.constant 640 : i32
    %mul3A_56 = arith.muli %arg1, %mul3A_55 : i32
    %mul3A_57 = arith.constant 640 : i32
    %mul3A_58 = arith.muli %arg1, %mul3A_57 : i32
    "tpu.region"() ({
      %run_scoped3A_59 = tpu.sem_alloc : memref<!tpu.dma_semaphore, #tpu.memory_space<semaphore_mem>>
      %dma_start3A_60 = arith.constant 64 : i32
      %dma_start3A_61 = tpu.memref_slice %arg5[%arg0, %mul3A_58, %dma_start3A_60] : memref<2x10240x128xf32, #tpu.memory_space<hbm>> -> memref<1x640x64xf32, #tpu.memory_space<hbm>>
      %dma_start3A_62 = tpu.memref_squeeze %dma_start3A_61 : memref<1x640x64xf32, #tpu.memory_space<hbm>> -> memref<640x64xf32, #tpu.memory_space<hbm>>
      %dma_start3A_63 = arith.constant 0 : i32
      %dma_start3A_64 = tpu.memref_slice %arg10[%mul3A_56, %dma_start3A_63] : memref<10240x64xf32, #tpu.memory_space<vmem_shared>> -> memref<640x64xf32, #tpu.memory_space<vmem_shared>>
      tpu.enqueue_dma source(%dma_start3A_64 : memref<640x64xf32, #tpu.memory_space<vmem_shared>>) target(%dma_start3A_62 : memref<640x64xf32, #tpu.memory_space<hbm>>) target_semaphore(%run_scoped3A_59 : memref<!tpu.dma_semaphore, #tpu.memory_space<semaphore_mem>>)
      %dma_wait3A = arith.constant 64 : i32
      %dma_wait3A_65 = tpu.memref_slice %arg5[%arg0, %mul3A_58, %dma_wait3A] : memref<2x10240x128xf32, #tpu.memory_space<hbm>> -> memref<1x640x64xf32, #tpu.memory_space<hbm>>
      %dma_wait3A_66 = tpu.memref_squeeze %dma_wait3A_65 : memref<1x640x64xf32, #tpu.memory_space<hbm>> -> memref<640x64xf32, #tpu.memory_space<hbm>>
      %dma_wait3A_67 = arith.constant 0 : i32
      %dma_wait3A_68 = tpu.memref_slice %arg10[%mul3A_56, %dma_wait3A_67] : memref<10240x64xf32, #tpu.memory_space<vmem_shared>> -> memref<640x64xf32, #tpu.memory_space<vmem_shared>>
      tpu.wait_dma2 semaphore(%run_scoped3A_59 : memref<!tpu.dma_semaphore, #tpu.memory_space<semaphore_mem>>) src(%dma_wait3A_68 : memref<640x64xf32, #tpu.memory_space<vmem_shared>>) dst(%dma_wait3A_66 : memref<640x64xf32, #tpu.memory_space<hbm>>)
      tpu.yield
    }) : () -> ()
    return
  }
}

module attributes {stable_mosaic.version = 14 : i64} {
  func.func @body(%arg0: i32, %arg1: memref<1x2000x16xf32, #tpu.memory_space<vmem>>, %arg2: memref<1x2000x16xf32, #tpu.memory_space<vmem>>, %arg3: memref<2000x128xf32, #tpu.memory_space<vmem>>, %arg4: memref<2000x128xf32, #tpu.memory_space<vmem>>, %arg5: memref<2000x16xf32, #tpu.memory_space<vmem>>) attributes {dimension_semantics = [#tpu.dimension_semantics<arbitrary>], iteration_bounds = array<i64: 5>, scalar_prefetch = 0 : i64, scratch_operands = 0 : i64, tpu.core_type = #tpu.core_type<tc>, window_params = [{transform_indices = @transform_0, window_bounds = array<i64: 1, 2000, 16>}, {transform_indices = @transform_1, window_bounds = array<i64: 1, 2000, 16>}, {transform_indices = @transform_2, window_bounds = array<i64: 2000, 128>}, {transform_indices = @transform_3, window_bounds = array<i64: 2000, 128>}, {transform_indices = @transform_4, window_bounds = array<i64: 2000, 16>}]} {
    %get3A = arith.constant 0 : index
    %get3A_0 = arith.constant 0 : index
    %get3A_1 = arith.constant 0 : index
    %get3A_2 = vector.load %arg1[%get3A, %get3A_0, %get3A_1] : memref<1x2000x16xf32, #tpu.memory_space<vmem>>, vector<1x2000x1xf32>
    %get3A_3 = vector.shape_cast %get3A_2 : vector<1x2000x1xf32> to vector<2000x1xf32>
    %get3A_4 = arith.constant 0 : index
    %get3A_5 = arith.constant 0 : index
    %get3A_6 = arith.constant 0 : index
    %get3A_7 = vector.load %arg2[%get3A_4, %get3A_5, %get3A_6] : memref<1x2000x16xf32, #tpu.memory_space<vmem>>, vector<1x2000x1xf32>
    %get3A_8 = vector.shape_cast %get3A_7 : vector<1x2000x1xf32> to vector<2000x1xf32>
    %add3A = arith.addf %get3A_3, %get3A_8 : vector<2000x1xf32>
    %add3A_9 = arith.constant 1.000000e+00 : f32
    %add3A_10 = vector.broadcast %add3A_9 : f32 to vector<2000x1xf32>
    %add3A_11 = arith.addf %add3A, %add3A_10 : vector<2000x1xf32>
    %rsqrt3A = math.rsqrt %add3A_11 : vector<2000x1xf32>
    %get3A_12 = arith.constant 0 : index
    %get3A_13 = arith.constant 0 : index
    %get3A_14 = vector.load %arg3[%get3A_12, %get3A_13] : memref<2000x128xf32, #tpu.memory_space<vmem>>, vector<2000x128xf32>
    %mul3A = vector.broadcast %rsqrt3A : vector<2000x1xf32> to vector<2000x128xf32>
    %mul3A_15 = arith.mulf %get3A_14, %mul3A : vector<2000x128xf32>
    %swap3A = arith.constant 0 : index
    %swap3A_16 = arith.constant 0 : index
    %swap3A_17 = vector.load %arg4[%swap3A, %swap3A_16] : memref<2000x128xf32, #tpu.memory_space<vmem>>, vector<2000x128xf32>
    tpu.vector_store %arg4[%swap3A, %swap3A_16], %mul3A_15 {strides = array<i32>} : memref<2000x128xf32, #tpu.memory_space<vmem>>, vector<2000x128xf32>,
    %broadcast_in_dim3A = vector.shape_cast %rsqrt3A : vector<2000x1xf32> to vector<2000x1xf32>
    %broadcast_in_dim3A_18 = vector.broadcast %broadcast_in_dim3A : vector<2000x1xf32> to vector<2000x16xf32>
    %swap3A_19 = arith.constant 0 : index
    %swap3A_20 = arith.constant 0 : index
    %swap3A_21 = vector.load %arg5[%swap3A_19, %swap3A_20] : memref<2000x16xf32, #tpu.memory_space<vmem>>, vector<2000x16xf32>
    tpu.vector_store %arg5[%swap3A_19, %swap3A_20], %broadcast_in_dim3A_18 {strides = array<i32>} : memref<2000x16xf32, #tpu.memory_space<vmem>>, vector<2000x16xf32>,
    return
  }
  func.func @transform_0(%arg0: i32) -> (i32, i32, i32) {
    %c0_i32 = arith.constant 0 : i32
    %c0_i32_0 = arith.constant 0 : i32
    %c0_i32_1 = arith.constant 0 : i32
    return %c0_i32, %arg0, %c0_i32_0 : i32, i32, i32
  }
  func.func @transform_1(%arg0: i32) -> (i32, i32, i32) {
    %c1_i32 = arith.constant 1 : i32
    %c0_i32 = arith.constant 0 : i32
    %c0_i32_0 = arith.constant 0 : i32
    return %c1_i32, %arg0, %c0_i32 : i32, i32, i32
  }
  func.func @transform_2(%arg0: i32) -> (i32, i32) {
    %c0_i32 = arith.constant 0 : i32
    %c0_i32_0 = arith.constant 0 : i32
    return %arg0, %c0_i32 : i32, i32
  }
  func.func @transform_3(%arg0: i32) -> (i32, i32) {
    %c0_i32 = arith.constant 0 : i32
    %c0_i32_0 = arith.constant 0 : i32
    return %arg0, %c0_i32 : i32, i32
  }
  func.func @transform_4(%arg0: i32) -> (i32, i32) {
    %c0_i32 = arith.constant 0 : i32
    %c0_i32_0 = arith.constant 0 : i32
    return %arg0, %c0_i32 : i32, i32
  }
}

module attributes {stable_mosaic.version = 14 : i64} {
  func.func @body(%arg0: i32, %arg1: memref<2000x128xf32, #tpu.memory_space<vmem>>, %arg2: memref<128x128xf32, #tpu.memory_space<vmem>>, %arg3: memref<2000x128xf32, #tpu.memory_space<vmem>>) attributes {dimension_semantics = [#tpu.dimension_semantics<arbitrary>], iteration_bounds = array<i64: 5>, scalar_prefetch = 0 : i64, scratch_operands = 0 : i64, tpu.core_type = #tpu.core_type<tc>, window_params = [{transform_indices = @transform_0, window_bounds = array<i64: 2000, 128>}, {pipeline_mode = #tpu.pipeline_mode<synchronous>, transform_indices = @transform_1, window_bounds = array<i64: 128, 128>}, {transform_indices = @transform_2, window_bounds = array<i64: 2000, 128>}]} {
    %get3A = arith.constant 0 : index
    %get3A_0 = arith.constant 0 : index
    %get3A_1 = vector.load %arg1[%get3A, %get3A_0] : memref<2000x128xf32, #tpu.memory_space<vmem>>, vector<2000x128xf32>
    %get3A_2 = arith.constant 0 : index
    %get3A_3 = arith.constant 0 : index
    %get3A_4 = vector.load %arg2[%get3A_2, %get3A_3] : memref<128x128xf32, #tpu.memory_space<vmem>>, vector<128x128xf32>
    %dot_general3A = arith.constant dense<0.000000e+00> : vector<2000x128xf32>
    %dot_general3A_5 = tpu.matmul %get3A_1, %get3A_4, %dot_general3A {dimension_numbers = #tpu.dot_dimension_numbers<[1], [0], [0], [1], [0, 0, 1, 1], [], []>, transpose_lhs_hint = false} : vector<2000x128xf32>, vector<128x128xf32>, vector<2000x128xf32> -> vector<2000x128xf32>
    %swap3A = arith.constant 0 : index
    %swap3A_6 = arith.constant 0 : index
    %swap3A_7 = vector.load %arg3[%swap3A, %swap3A_6] : memref<2000x128xf32, #tpu.memory_space<vmem>>, vector<2000x128xf32>
    tpu.vector_store %arg3[%swap3A, %swap3A_6], %dot_general3A_5 {strides = array<i32>} : memref<2000x128xf32, #tpu.memory_space<vmem>>, vector<2000x128xf32>,
    return
  }
  func.func @transform_0(%arg0: i32) -> (i32, i32) {
    %c0_i32 = arith.constant 0 : i32
    %c0_i32_0 = arith.constant 0 : i32
    return %arg0, %c0_i32 : i32, i32
  }
  func.func @transform_1(%arg0: i32) -> (i32, i32) {
    %c0_i32 = arith.constant 0 : i32
    %c0_i32_0 = arith.constant 0 : i32
    %c0_i32_1 = arith.constant 0 : i32
    return %c0_i32, %c0_i32_0 : i32, i32
  }
  func.func @transform_2(%arg0: i32) -> (i32, i32) {
    %c0_i32 = arith.constant 0 : i32
    %c0_i32_0 = arith.constant 0 : i32
    return %arg0, %c0_i32 : i32, i32
  }
}

module attributes {stable_mosaic.version = 14 : i64} {
  func.func @body(%arg0: i32, %arg1: memref<1x2000x128xf32, #tpu.memory_space<vmem>>, %arg2: memref<1x2000x128xf32, #tpu.memory_space<vmem>>, %arg3: memref<2000x128xf32, #tpu.memory_space<vmem>>, %arg4: memref<2000x16xf32, #tpu.memory_space<vmem>>, %arg5: memref<1x128xf32, #tpu.memory_space<vmem>>, %arg6: memref<128x128xf32, #tpu.memory_space<vmem>>, %arg7: memref<2000x128xf32, #tpu.memory_space<vmem>>) attributes {dimension_semantics = [#tpu.dimension_semantics<arbitrary>], iteration_bounds = array<i64: 5>, scalar_prefetch = 0 : i64, scratch_operands = 0 : i64, tpu.core_type = #tpu.core_type<tc>, window_params = [{transform_indices = @transform_0, window_bounds = array<i64: 1, 2000, 128>}, {transform_indices = @transform_1, window_bounds = array<i64: 1, 2000, 128>}, {transform_indices = @transform_2, window_bounds = array<i64: 2000, 128>}, {transform_indices = @transform_3, window_bounds = array<i64: 2000, 16>}, {pipeline_mode = #tpu.pipeline_mode<synchronous>, transform_indices = @transform_4, window_bounds = array<i64: 1, 128>}, {pipeline_mode = #tpu.pipeline_mode<synchronous>, transform_indices = @transform_5, window_bounds = array<i64: 128, 128>}, {transform_indices = @transform_6, window_bounds = array<i64: 2000, 128>}]} {
    %get3A = arith.constant 0 : index
    %get3A_0 = arith.constant 0 : index
    %get3A_1 = vector.load %arg4[%get3A, %get3A_0] : memref<2000x16xf32, #tpu.memory_space<vmem>>, vector<2000x1xf32>
    %get3A_2 = arith.constant 0 : index
    %get3A_3 = arith.constant 0 : index
    %get3A_4 = arith.constant 0 : index
    %get3A_5 = vector.load %arg1[%get3A_2, %get3A_3, %get3A_4] : memref<1x2000x128xf32, #tpu.memory_space<vmem>>, vector<1x2000x128xf32>
    %get3A_6 = vector.shape_cast %get3A_5 : vector<1x2000x128xf32> to vector<2000x128xf32>
    %get3A_7 = arith.constant 0 : index
    %get3A_8 = arith.constant 0 : index
    %get3A_9 = arith.constant 0 : index
    %get3A_10 = vector.load %arg2[%get3A_7, %get3A_8, %get3A_9] : memref<1x2000x128xf32, #tpu.memory_space<vmem>>, vector<1x2000x128xf32>
    %get3A_11 = vector.shape_cast %get3A_10 : vector<1x2000x128xf32> to vector<2000x128xf32>
    %add3A = arith.addf %get3A_6, %get3A_11 : vector<2000x128xf32>
    %get3A_12 = arith.constant 0 : index
    %get3A_13 = arith.constant 0 : index
    %get3A_14 = vector.load %arg3[%get3A_12, %get3A_13] : memref<2000x128xf32, #tpu.memory_space<vmem>>, vector<2000x128xf32>
    %add3A_15 = arith.addf %add3A, %get3A_14 : vector<2000x128xf32>
    %mul3A = vector.broadcast %get3A_1 : vector<2000x1xf32> to vector<2000x128xf32>
    %mul3A_16 = arith.mulf %mul3A, %add3A_15 : vector<2000x128xf32>
    %get3A_17 = arith.constant 0 : index
    %get3A_18 = arith.constant 0 : index
    %get3A_19 = vector.load %arg5[%get3A_17, %get3A_18] : memref<1x128xf32, #tpu.memory_space<vmem>>, vector<1x128xf32>
    %add3A_20 = vector.broadcast %get3A_19 : vector<1x128xf32> to vector<2000x128xf32>
    %add3A_21 = arith.addf %mul3A_16, %add3A_20 : vector<2000x128xf32>
    %max3A = arith.constant 0.000000e+00 : f32
    %max3A_22 = vector.broadcast %max3A : f32 to vector<2000x128xf32>
    %max3A_23 = arith.maximumf %add3A_21, %max3A_22 : vector<2000x128xf32>
    %get3A_24 = arith.constant 0 : index
    %get3A_25 = arith.constant 0 : index
    %get3A_26 = vector.load %arg6[%get3A_24, %get3A_25] : memref<128x128xf32, #tpu.memory_space<vmem>>, vector<128x128xf32>
    %dot_general3A = arith.constant dense<0.000000e+00> : vector<2000x128xf32>
    %dot_general3A_27 = tpu.matmul %max3A_23, %get3A_26, %dot_general3A {dimension_numbers = #tpu.dot_dimension_numbers<[1], [0], [0], [1], [0, 0, 1, 1], [], []>, transpose_lhs_hint = false} : vector<2000x128xf32>, vector<128x128xf32>, vector<2000x128xf32> -> vector<2000x128xf32>
    %mul3A_28 = vector.broadcast %get3A_1 : vector<2000x1xf32> to vector<2000x128xf32>
    %mul3A_29 = arith.mulf %dot_general3A_27, %mul3A_28 : vector<2000x128xf32>
    %swap3A = arith.constant 0 : index
    %swap3A_30 = arith.constant 0 : index
    %swap3A_31 = vector.load %arg7[%swap3A, %swap3A_30] : memref<2000x128xf32, #tpu.memory_space<vmem>>, vector<2000x128xf32>
    tpu.vector_store %arg7[%swap3A, %swap3A_30], %mul3A_29 {strides = array<i32>} : memref<2000x128xf32, #tpu.memory_space<vmem>>, vector<2000x128xf32>,
    return
  }
  func.func @transform_0(%arg0: i32) -> (i32, i32, i32) {
    %c0_i32 = arith.constant 0 : i32
    %c0_i32_0 = arith.constant 0 : i32
    %c0_i32_1 = arith.constant 0 : i32
    return %c0_i32, %arg0, %c0_i32_0 : i32, i32, i32
  }
  func.func @transform_1(%arg0: i32) -> (i32, i32, i32) {
    %c1_i32 = arith.constant 1 : i32
    %c0_i32 = arith.constant 0 : i32
    %c0_i32_0 = arith.constant 0 : i32
    return %c1_i32, %arg0, %c0_i32 : i32, i32, i32
  }
  func.func @transform_2(%arg0: i32) -> (i32, i32) {
    %c0_i32 = arith.constant 0 : i32
    %c0_i32_0 = arith.constant 0 : i32
    return %arg0, %c0_i32 : i32, i32
  }
  func.func @transform_3(%arg0: i32) -> (i32, i32) {
    %c0_i32 = arith.constant 0 : i32
    %c0_i32_0 = arith.constant 0 : i32
    return %arg0, %c0_i32 : i32, i32
  }
  func.func @transform_4(%arg0: i32) -> (i32, i32) {
    %c0_i32 = arith.constant 0 : i32
    %c0_i32_0 = arith.constant 0 : i32
    %c0_i32_1 = arith.constant 0 : i32
    return %c0_i32, %c0_i32_0 : i32, i32
  }
  func.func @transform_5(%arg0: i32) -> (i32, i32) {
    %c0_i32 = arith.constant 0 : i32
    %c0_i32_0 = arith.constant 0 : i32
    %c0_i32_1 = arith.constant 0 : i32
    return %c0_i32, %c0_i32_0 : i32, i32
  }
  func.func @transform_6(%arg0: i32) -> (i32, i32) {
    %c0_i32 = arith.constant 0 : i32
    %c0_i32_0 = arith.constant 0 : i32
    return %arg0, %c0_i32 : i32, i32
  }
}

module attributes {stable_mosaic.version = 14 : i64} {
  func.func @body(%arg0: i32, %arg1: memref<1x2000x128xf32, #tpu.memory_space<vmem>>, %arg2: memref<1x2000x128xf32, #tpu.memory_space<vmem>>, %arg3: memref<2000x128xf32, #tpu.memory_space<vmem>>, %arg4: memref<2000x16xf32, #tpu.memory_space<vmem>>, %arg5: memref<2000x8xf32, #tpu.memory_space<vmem>>, %arg6: memref<1x16xf32, #tpu.memory_space<vmem>>, %arg7: memref<16x8xf32, #tpu.memory_space<vmem>>, %arg8: memref<8x8xf32, #tpu.memory_space<vmem>>, %arg9: memref<1x8xf32, #tpu.memory_space<vmem>>, %arg10: memref<2000x3xf32, #tpu.memory_space<vmem>>) attributes {dimension_semantics = [#tpu.dimension_semantics<arbitrary>], iteration_bounds = array<i64: 5>, scalar_prefetch = 0 : i64, scratch_operands = 0 : i64, tpu.core_type = #tpu.core_type<tc>, window_params = [{transform_indices = @transform_0, window_bounds = array<i64: 1, 2000, 128>}, {transform_indices = @transform_1, window_bounds = array<i64: 1, 2000, 128>}, {transform_indices = @transform_2, window_bounds = array<i64: 2000, 128>}, {transform_indices = @transform_3, window_bounds = array<i64: 2000, 16>}, {transform_indices = @transform_4, window_bounds = array<i64: 2000, 8>}, {pipeline_mode = #tpu.pipeline_mode<synchronous>, transform_indices = @transform_5, window_bounds = array<i64: 1, 16>}, {pipeline_mode = #tpu.pipeline_mode<synchronous>, transform_indices = @transform_6, window_bounds = array<i64: 16, 8>}, {pipeline_mode = #tpu.pipeline_mode<synchronous>, transform_indices = @transform_7, window_bounds = array<i64: 8, 8>}, {pipeline_mode = #tpu.pipeline_mode<synchronous>, transform_indices = @transform_8, window_bounds = array<i64: 1, 8>}, {transform_indices = @transform_9, window_bounds = array<i64: 2000, 3>}]} {
    %get3A = arith.constant 0 : index
    %get3A_0 = arith.constant 0 : index
    %get3A_1 = vector.load %arg4[%get3A, %get3A_0] : memref<2000x16xf32, #tpu.memory_space<vmem>>, vector<2000x1xf32>
    %get3A_2 = arith.constant 0 : index
    %get3A_3 = arith.constant 0 : index
    %get3A_4 = arith.constant 0 : index
    %get3A_5 = vector.load %arg1[%get3A_2, %get3A_3, %get3A_4] : memref<1x2000x128xf32, #tpu.memory_space<vmem>>, vector<1x2000x16xf32>
    %get3A_6 = vector.shape_cast %get3A_5 : vector<1x2000x16xf32> to vector<2000x16xf32>
    %get3A_7 = arith.constant 0 : index
    %get3A_8 = arith.constant 0 : index
    %get3A_9 = arith.constant 0 : index
    %get3A_10 = vector.load %arg2[%get3A_7, %get3A_8, %get3A_9] : memref<1x2000x128xf32, #tpu.memory_space<vmem>>, vector<1x2000x16xf32>
    %get3A_11 = vector.shape_cast %get3A_10 : vector<1x2000x16xf32> to vector<2000x16xf32>
    %add3A = arith.addf %get3A_6, %get3A_11 : vector<2000x16xf32>
    %get3A_12 = arith.constant 0 : index
    %get3A_13 = arith.constant 0 : index
    %get3A_14 = vector.load %arg3[%get3A_12, %get3A_13] : memref<2000x128xf32, #tpu.memory_space<vmem>>, vector<2000x16xf32>
    %add3A_15 = arith.addf %add3A, %get3A_14 : vector<2000x16xf32>
    %mul3A = vector.broadcast %get3A_1 : vector<2000x1xf32> to vector<2000x16xf32>
    %mul3A_16 = arith.mulf %mul3A, %add3A_15 : vector<2000x16xf32>
    %get3A_17 = arith.constant 0 : index
    %get3A_18 = arith.constant 0 : index
    %get3A_19 = vector.load %arg6[%get3A_17, %get3A_18] : memref<1x16xf32, #tpu.memory_space<vmem>>, vector<1x16xf32>
    %add3A_20 = vector.broadcast %get3A_19 : vector<1x16xf32> to vector<2000x16xf32>
    %add3A_21 = arith.addf %mul3A_16, %add3A_20 : vector<2000x16xf32>
    %get3A_22 = arith.constant 0 : index
    %get3A_23 = arith.constant 0 : index
    %get3A_24 = vector.load %arg7[%get3A_22, %get3A_23] : memref<16x8xf32, #tpu.memory_space<vmem>>, vector<16x8xf32>
    %dot_general3A = arith.constant dense<0.000000e+00> : vector<2000x8xf32>
    %dot_general3A_25 = tpu.matmul %add3A_21, %get3A_24, %dot_general3A {dimension_numbers = #tpu.dot_dimension_numbers<[1], [0], [0], [1], [0, 0, 1, 1], [], []>, transpose_lhs_hint = false} : vector<2000x16xf32>, vector<16x8xf32>, vector<2000x8xf32> -> vector<2000x8xf32>
    %get3A_26 = arith.constant 0 : index
    %get3A_27 = arith.constant 0 : index
    %get3A_28 = vector.load %arg5[%get3A_26, %get3A_27] : memref<2000x8xf32, #tpu.memory_space<vmem>>, vector<2000x8xf32>
    %get3A_29 = arith.constant 0 : index
    %get3A_30 = arith.constant 0 : index
    %get3A_31 = vector.load %arg8[%get3A_29, %get3A_30] : memref<8x8xf32, #tpu.memory_space<vmem>>, vector<8x8xf32>
    %dot_general3A_32 = arith.constant dense<0.000000e+00> : vector<2000x8xf32>
    %dot_general3A_33 = tpu.matmul %get3A_28, %get3A_31, %dot_general3A_32 {dimension_numbers = #tpu.dot_dimension_numbers<[1], [0], [0], [1], [0, 0, 1, 1], [], []>, transpose_lhs_hint = false} : vector<2000x8xf32>, vector<8x8xf32>, vector<2000x8xf32> -> vector<2000x8xf32>
    %add3A_34 = arith.addf %dot_general3A_25, %dot_general3A_33 : vector<2000x8xf32>
    %get3A_35 = arith.constant 0 : index
    %get3A_36 = arith.constant 0 : index
    %get3A_37 = vector.load %arg9[%get3A_35, %get3A_36] : memref<1x8xf32, #tpu.memory_space<vmem>>, vector<1x8xf32>
    %add3A_38 = vector.broadcast %get3A_37 : vector<1x8xf32> to vector<2000x8xf32>
    %add3A_39 = arith.addf %add3A_34, %add3A_38 : vector<2000x8xf32>
    %slice3A = vector.extract_strided_slice %add3A_39 {offsets = [0, 0], sizes = [2000, 3], strides = [1, 1]} : vector<2000x8xf32> to vector<2000x3xf32>
    %swap3A = arith.constant 0 : index
    %swap3A_40 = arith.constant 0 : index
    %swap3A_41 = vector.load %arg10[%swap3A, %swap3A_40] : memref<2000x3xf32, #tpu.memory_space<vmem>>, vector<2000x3xf32>
    tpu.vector_store %arg10[%swap3A, %swap3A_40], %slice3A {strides = array<i32>} : memref<2000x3xf32, #tpu.memory_space<vmem>>, vector<2000x3xf32>,
    return
  }
  func.func @transform_0(%arg0: i32) -> (i32, i32, i32) {
    %c0_i32 = arith.constant 0 : i32
    %c0_i32_0 = arith.constant 0 : i32
    %c0_i32_1 = arith.constant 0 : i32
    return %c0_i32, %arg0, %c0_i32_0 : i32, i32, i32
  }
  func.func @transform_1(%arg0: i32) -> (i32, i32, i32) {
    %c1_i32 = arith.constant 1 : i32
    %c0_i32 = arith.constant 0 : i32
    %c0_i32_0 = arith.constant 0 : i32
    return %c1_i32, %arg0, %c0_i32 : i32, i32, i32
  }
  func.func @transform_2(%arg0: i32) -> (i32, i32) {
    %c0_i32 = arith.constant 0 : i32
    %c0_i32_0 = arith.constant 0 : i32
    return %arg0, %c0_i32 : i32, i32
  }
  func.func @transform_3(%arg0: i32) -> (i32, i32) {
    %c0_i32 = arith.constant 0 : i32
    %c0_i32_0 = arith.constant 0 : i32
    return %arg0, %c0_i32 : i32, i32
  }
  func.func @transform_4(%arg0: i32) -> (i32, i32) {
    %c0_i32 = arith.constant 0 : i32
    %c0_i32_0 = arith.constant 0 : i32
    return %arg0, %c0_i32 : i32, i32
  }
  func.func @transform_5(%arg0: i32) -> (i32, i32) {
    %c0_i32 = arith.constant 0 : i32
    %c0_i32_0 = arith.constant 0 : i32
    %c0_i32_1 = arith.constant 0 : i32
    return %c0_i32, %c0_i32_0 : i32, i32
  }
  func.func @transform_6(%arg0: i32) -> (i32, i32) {
    %c0_i32 = arith.constant 0 : i32
    %c0_i32_0 = arith.constant 0 : i32
    %c0_i32_1 = arith.constant 0 : i32
    return %c0_i32, %c0_i32_0 : i32, i32
  }
  func.func @transform_7(%arg0: i32) -> (i32, i32) {
    %c0_i32 = arith.constant 0 : i32
    %c0_i32_0 = arith.constant 0 : i32
    %c0_i32_1 = arith.constant 0 : i32
    return %c0_i32, %c0_i32_0 : i32, i32
  }
  func.func @transform_8(%arg0: i32) -> (i32, i32) {
    %c0_i32 = arith.constant 0 : i32
    %c0_i32_0 = arith.constant 0 : i32
    %c0_i32_1 = arith.constant 0 : i32
    return %c0_i32, %c0_i32_0 : i32, i32
  }
  func.func @transform_9(%arg0: i32) -> (i32, i32) {
    %c0_i32 = arith.constant 0 : i32
    %c0_i32_0 = arith.constant 0 : i32
    return %arg0, %c0_i32 : i32, i32
  }
}

</mosaic_0001>

<sc_bundles>
// kernel: kernel.12.cloned.1.call-start
scs
__scs_entry_jumppad:
0x0: {  	(pc) =	sbr.rel $0x88, $3  }
0x1: {  	(tag) =	ssettag $0x0;
	lr =	simm.s32 $0x1  }
0x2: {  	[smem:$0x3F98] =	sst lr;
	_ =	strace $0xD0000000  }
0x3: {  	_ = 	snop  }
0x4: {  	_ = 	snop  }
0x5: {  	_ = 	snop  }
0x6: {  	_ = 	snop  }
0x7: {  	_ = 	snop  }
__scs_overlays_trampoline_lowered:
0x8: {  	[smem:$0x3FA7] =	sst s0  }
0x9: {  	[smem:$0x3FA8] =	sst s1  }
0xa: {  	[smem:$0x3FA9] =	sst s2  }
0xb: {  	[smem:$0x3FAA] =	sst s3  }
0xc: {  	[smem:$0x3FAB] =	sst s4  }
0xd: {  	[smem:$0x3FAC] =	sst s5  }
0xe: {  	[smem:$0x3FAD] =	sst s6  }
0xf: {  	[smem:$0x3FAE] =	sst s7  }
0x10: {  	[smem:$0x3FAF] =	sst s8  }
0x11: {  	[smem:$0x3FB0] =	sst s9;
	s0 =	simm.s32 @!p0 $0x0  }
0x12: {  	s1 =	sld [smem:$0x3F96];
	s0 =	simm.s32 @p0 $0x1  }
0x13: {  	[smem:$0x3FB1] =	sst s0;
	s0 =	simm.s32 @!p1 $0x0  }
0x14: {  	s2 =	sld [smem:$0x3F95];
	s0 =	simm.s32 @p1 $0x1  }
0x15: {  	[smem:$0x3FB2] =	sst s0;
	s0 =	simm.s32 @!p2 $0x0  }
0x16: {  	s3 =	sld [smem:$0x3FDB];
	s0 =	simm.s32 @p2 $0x1  }
0x17: {  	s4 =	simm.s32 $0x1BF5;
	[smem:$0x3FB4] =	sst s0  }
0x18: {  	s0 =	sld [smem:$0x3F97];
	_ =	swait.ge [sflag:s4], $0x0  }
0x19: {  	s7 =	sld [smem:$0x3F98]  }
0x1a: {  	s8 =	sadd.s32 $0xFFFFE003, lr  }
0x1b: {  	s9 =	sadd.s32 $0xFFFFFEF7, lr;
	s5 =	simm.s32 $0xFFFFFFFF;
	p2 =	slt.u32 s8, $0xFFFFF086  }
0x1c: {  	p1 =	slt.u32 s9, $0xF7A;
	s5 =	simm.s32 @!p2 $0x0  }
0x1d: {  	s5 =	simm.s32 @p1 $0x1;
	p0 =	seq.s32 s7, s2  }
0x1e: {  	s7 =	smul.u32 @!p0 $0xF7A, s2;
	p2 =	seq.s32 @!p0 s5, $0x0  }
0x1f: {  	s9 =	smul.u32 $0xF7A, s1;
	s8 =	simm.s32 @!p0 $0x1BF5;
	p2 =	por !p2, p0  }
0x20: {  	[sflag:s8] =	ssyncset.s32 @!p0 $0xFFFFF086;
	s6 =	sadd.s32 @!p0 s3, s7;
	s7 =	simm.s32 @!p0 $0x108  }
0x21: {  	s3 =	sadd.s32 s3, s9;
	s6 =	sadd.s32 @!p0 $0x88, s6;
	s7 =	simm.s32 @p2 $0x1082  }
0x22: {  	[simem:s7], [sflag:s8] =	dma.local @!p0 [hbm:s6], $0xF7A  }
0x23: {  	s9 =	sor.u32 $0xD0000000, s2;
	s6 =	simm.s32 $0x108;
	_ =	swait.ge @!p0 [sflag:s8], $0x0  }
0x24: {  	s3 =	sadd.s32 $0x88, s3;
	s6 =	simm.s32 @!p1 $0x1082;
	[sflag:s4] =	ssyncset.s32 $0xFFFFF086  }
0x25: {  	[simem:s6], [sflag:s4] =	dma.local [hbm:s3], $0xF7A  }
0x26: {  	[smem:$0x3F98] =	sst s1;
	(tag) =	ssettag s2;
	_ =	strace s9  }
0x27: {  	s1 =	sld [smem:$0x3FA8]  }
0x28: {  	s2 =	sld [smem:$0x3FA9]  }
0x29: {  	s4 =	sld [smem:$0x3FAB]  }
0x2a: {  	p0 =	seq.s32 s5, $0x0;
	s5 =	sld [smem:$0x3FAC]  }
0x2b: {  	s6 =	sld [smem:$0x3FAD]  }
0x2c: {  	s7 =	sld [smem:$0x3FAE]  }
0x2d: {  	s3 =	simm.s32 $0x108;
	s8 =	sld [smem:$0x3FAF]  }
0x2e: {  	s3 =	simm.s32 @!p0 $0x1082;
	s9 =	sld [smem:$0x3FB0]  }
0x2f: {  	lr =	sadd.s32 s0, s3;
	s0 =	sld [smem:$0x3FA7]  }
0x30: {  	s3 =	sld [smem:$0x3FAA]  }
0x31: {  	[smem:$0x3FB3] =	sst s10  }
0x32: {  	s10 =	sld [smem:$0x3FB1];
	_ =	sdelay $0x3  }
0x33: {  	p0 =	seq.s32 s10, $0x1;
	s10 =	sld [smem:$0x3FB3];
	_ =	sdelay $0x3  }
0x34: {  	[smem:$0x3FB3] =	sst s10  }
0x35: {  	s10 =	sld [smem:$0x3FB2];
	_ =	sdelay $0x3  }
0x36: {  	p1 =	seq.s32 s10, $0x1;
	s10 =	sld [smem:$0x3FB3];
	_ =	sdelay $0x3  }
0x37: {  	[smem:$0x3FB3] =	sst s10  }
0x38: {  	s10 =	sld [smem:$0x3FB4]  }
0x39: {  	_ = 	snop;
	(pc) =	sbr.ind lr, $3  }
0x3a: {  	_ = 	snop  }
0x3b: {  	_ = 	snop  }
0x3c: {  	p2 =	seq.s32 s10, $0x1;
	s10 =	sld [smem:$0x3FB3]  }
0x3d: {  	_ =	shalt  }
0x3e: {  	_ =	shalt  }
0x3f: {  	_ =	shalt  }
0x40: {  	_ =	shalt  }
0x41: {  	_ =	shalt  }
0x42: {  	_ =	shalt  }
0x43: {  	_ =	shalt  }
0x44: {  	_ =	shalt  }
0x45: {  	_ =	shalt  }
0x46: {  	_ =	shalt  }
0x47: {  	_ =	shalt  }
0x48: {  	_ =	shalt  }
0x49: {  	_ =	shalt  }
0x4a: {  	_ =	shalt  }
0x4b: {  	_ =	shalt  }
0x4c: {  	_ =	shalt  }
0x4d: {  	_ =	shalt  }
0x4e: {  	_ =	shalt  }
0x4f: {  	_ =	shalt  }
0x50: {  	_ =	shalt  }
0x51: {  	_ =	shalt  }
0x52: {  	_ =	shalt  }
0x53: {  	_ =	shalt  }
0x54: {  	_ =	shalt  }
0x55: {  	_ =	shalt  }
0x56: {  	_ =	shalt  }
0x57: {  	_ =	shalt  }
0x58: {  	_ =	shalt  }
0x59: {  	_ =	shalt  }
0x5a: {  	_ =	shalt  }
0x5b: {  	_ =	shalt  }
0x5c: {  	_ =	shalt  }
0x5d: {  	_ =	shalt  }
0x5e: {  	_ =	shalt  }
0x5f: {  	_ =	shalt  }
0x60: {  	_ =	shalt  }
0x61: {  	_ =	shalt  }
0x62: {  	_ =	shalt  }
0x63: {  	_ =	shalt  }
0x64: {  	_ =	shalt  }
0x65: {  	_ =	shalt  }
0x66: {  	_ =	shalt  }
0x67: {  	_ =	shalt  }
0x68: {  	_ =	shalt  }
0x69: {  	_ =	shalt  }
0x6a: {  	_ =	shalt  }
0x6b: {  	_ =	shalt  }
0x6c: {  	_ =	shalt  }
0x6d: {  	_ =	shalt  }
0x6e: {  	_ =	shalt  }
0x6f: {  	_ =	shalt  }
0x70: {  	_ =	shalt  }
0x71: {  	_ =	shalt  }
0x72: {  	_ =	shalt  }
0x73: {  	_ =	shalt  }
0x74: {  	_ =	shalt  }
0x75: {  	_ =	shalt  }
0x76: {  	_ =	shalt  }
0x77: {  	_ =	shalt  }
0x78: {  	_ =	shalt  }
0x79: {  	_ =	shalt  }
0x7a: {  	_ =	shalt  }
0x7b: {  	_ =	shalt  }
0x7c: {  	_ =	shalt  }
0x7d: {  	_ =	shalt  }
0x7e: {  	_ =	shalt  }
0x7f: {  	_ =	shalt  }
0x80: {  	_ =	shalt  }
0x81: {  	_ =	shalt  }
0x82: {  	_ =	shalt  }
0x83: {  	_ =	shalt  }
0x84: {  	_ =	shalt  }
0x85: {  	_ =	shalt  }
0x86: {  	_ =	shalt  }
0x87: {  	_ =	shalt  }
.Lfunc_end0:
.L_simem_size_0:
called_computation.1_lowered:
.L_overlay_start_0:
0x88: {  	s2 =	sld [smem:$0x3FD9]  }
0x89: {  	s3 =	sld [smem:$0x3FFE];
	_ =	sdelay $0x1  }
0x8a: {  	s1 =	srdreg.scid  }
0x8b: {  	s0 =	sand.u32 $0x1, s1  }
0x8c: {  	s16 =	sshll.u32 s0, $0xA;
	s2 =	sadd.s32 s3, s2  }
0x8d: {  	s2 =	sadd.s32 s2, s16  }
0x8e: {  	[smem:$0x3FBF] =	sst s2  }
0x8f: {  	_ = 	snop  }
0x90: {  	(tm) =	ssettm $0x1  }
0x91: {  	s17 =	sld [smem:$0x3FFB];
	_ =	sdelay $0x3  }
0x92: {  	_ =	strace s17  }
0x93: {  	s2 =	sld [smem:$0x3FFC];
	_ =	sdelay $0x3  }
0x94: {  	_ =	strace s2  }
0x95: {  	s2 =	sld [smem:$0x3FFD];
	_ =	sdelay $0x3  }
0x96: {  	_ =	strace s2  }
0x97: {  	_ =	strace $0x8FFFFFFF  }
0x98: {  	s18 =	sld [smem:$0x3FDB];
	_ =	sdelay $0x1  }
0x99: {  	s19 =	simm.s32 $_scs_section_size  }
0x9a: {  	s4 =	simm.s32 $_size__tile_overlayer_lowered;
	s5 =	simm.s32 $_tile_overlayer_lowered  }
0x9b: {  	s22 =	simm.s32 $0x1BFF;
	s21 =	sshll.u32 s5, $0x1;
	s2 =	sadd.s32 s19, s18  }
0x9c: {  	s6 =	simm.s32 $0x0;
	s20 =	sshll.u32 s4, $0x1;
	s4 =	sadd.s32 s21, s2  }
0x9d: {  	[timem:s6], [sflag:s22] =	dma.local [hbm:s4], s20  }
0x9e: {  	_ =	swait.ge [sflag:s22], s20  }
0x9f: {  	s3 =	ssub.s32 $0x0, s20;
	[sflag:s22] =	ssyncset.done $0x0  }
0xa0: {  	[sflag:s22] =	ssyncadd.s32 s3;
	_ =	sdelay $0x1  }
0xa1: {  	s23 =	simm.s32 $0x1B8B  }
0xa2: {  	_ =	swait.ge [sflag:s23], $0x1  }
0xa3: {  	[sflag:s23] =	ssyncset.done $0x0  }
0xa4: {  	s25 =	simm.s32 $0x1B8E;
	s24 =	sld [smem:$0x3FFE];
	[sflag:s23] =	ssyncadd.s32 $0xFFFFFFFF  }
0xa5: {  	s26 =	simm.s32 $execute0_lowered;
	[smem:$0x3FD2] =	sst s25  }
0xa6: {  	s4 =	sshll.u32 s26, $0x1;
	_ =	strace $0x80000049;
	[dreg:$0x1] =	wrdreg $0xFFFFFFFF  }
0xa7: {  	s28 =	simm.s32 $_size_execute0_lowered;
	s2 =	sadd.s32 s2, s4;
	[dreg:$0x0] =	wrdreg $0x0  }
0xa8: {  	s4 =	sshll.u32 s28, $0x1;
	[dreg:$0x2] =	wrdreg s2  }
0xa9: {  	[dreg:$0x3] =	wrdreg s4  }
0xaa: {  	[dreg:$0x4] =	wrdreg $0xC0  }
0xab: {  	_ =	task [dreg:s6], $0x5FFFF  }
0xac: {  	[dreg:$0x1] =	wrdreg $0xFFFFFFFF  }
0xad: {  	[dreg:$0x0] =	wrdreg $0x60  }
0xae: {  	[dreg:$0x2] =	wrdreg s24  }
0xaf: {  	[dreg:$0x3] =	wrdreg $0xB2200  }
0xb0: {  	[dreg:$0x4] =	wrdreg $0x152200  }
0xb1: {  	[dreg:$0x5] =	wrdreg $0x9  }
0xb2: {  	_ =	task.clear_ibuf [dreg:s6], $0x6FFFF;
	_ =	strace $0x90000049  }
0xb3: {  	s29 =	simm.s32 $0x9;
	_ =	strace $0x8000004B  }
0xb4: {  	_ =	swait.ge [sflag:s29], $0x1  }
0xb5: {  	[sflag:s29] =	ssyncadd.s32 $0xFFFFFFFF  }
0xb6: {  	_ =	strace $0x9000004B  }
0xb7: {  	_ =	sfence  }
0xb8: {  	s30 =	sld [smem:$0x0];
	_ =	sdelay $0x2  }
0xb9: {  	s31 =	sshll.u32 s1, $0xD;
	s1 =	sshrl.u32 s1, $0x2  }
0xba: {  	s3 =	sand.u32 $0x4000, s31;
	s1 =	sadd.s32 s1, s30  }
0xbb: {  	s0 =	sor.u32 s3, s0;
	s1 =	sshll.u32 s1, $0x11  }
0xbc: {  	s0 =	sor.u32 s1, s0  }
0xbd: {  	s0 =	sadd.s32 $0x8F2B, s0  }
0xbe: {  	[sflag:s0] =	ssyncadd.remote.s32 $0x1  }
0xbf: {  	_ =	sfence.sel $0xFFFF  }
0xc0: {  	[dreg:$0x0] =	wrdreg $0xFFFFFFFF;
	(pc) =	sbr.abs _section_cstart, $3  }
0xc1: {  	[dreg:$0x1] =	wrdreg $0xFFFFFFFF  }
0xc2: {  	_ =	task.clear_ibuf [dreg:s6], $0x2FFFF;
	_ =	strace $0x9FFFFFFF  }
0xc3: {  	(tm) =	ssettm $0x7FFFFFFF  }
tec
execute0_lowered:
.L_overlay_start_1:
0x0: {  	(tag) =	ssettag $0x1  }
0x1: {  	s6 =	rddreg [dreg:$0x0];
	s0 =	stileid.u32  }
0x2: {  	s1 =	srdreg.scid;
	s2 =	rddreg [dreg:$0x1]  }
0x3: {  	s3 =	rddreg [dreg:$0x2];
	s4 =	simm.s32 $0x0;
	s16 =	simm.s32 $0x8  }
0x4: {  	s17 =	simm.s32 $0x10;
	s19 =	simm.s32 $0x4E20;
	s20 =	simm.s32 $0x1  }
0x5: {  	s21 =	simm.s32 $0x8020;
	s22 =	simm.s32 $0xC8;
	s23 =	simm.s32 $0x4D58  }
0x6: {  	s24 =	simm.s32 $0x0;
	s7 =	sand.u32 $0x1, s1;
	s1 =	rddreg [dreg:$0x3]  }
0x7: {  	s28 =	sshll.u32 s0, $0x1;
	s8 =	smul.u32 $0x14000, s0;
	[smem:$0x7FF] =	sst s4  }
0x8: {  	s12 =	smul.u32 $0xA000, s0;
	s31 =	sshll.u32 s0, $0x6;
	s5 =	sor.u32 s7, s28  }
0x9: {  	s10 =	smul.u32 $0x140000, s7;
	_ =	strace $0x8000004A;
	s7 =	ssub.s32 $0x2, s7  }
0xa: {  	s5 =	smul.u32 $0x2710, s5;
	s9 =	sshrl.u32 s8, $0x3;
	s30 =	sshrl.u32 s7, $0x1  }
0xb: {  	s15 =	sadd.s32 s12, s2;
	s18 =	sadd.s32 s12, s3;
	s11 =	sadd.s32 s9, s6  }
0xc: {  	s8 =	sadd.s32 s8, s10;
	s14 =	ssub.s32 s7, s30;
	s15 =	sshrl.u32 s15, $0x3  }
0xd: {  	s18 =	sshrl.u32 s18, $0x3;
	s5 =	sshrl.u32 s5, $0x3;
	s8 =	sshrl.u32 s8, $0x3  }
0xe: {  	s10 =	sadd.s32 $0x16208, s11;
	s12 =	smax.u32 s14, $0x1;
	s14 =	sor.u32 $0x1C02, s31  }
0xf: {  	s29 =	sadd.s32 s5, s6;
	s5 =	sadd.s32 $0x3E200, s6;
	s13 =	sadd.s32 s8, s6  }
0x10: {  	s8 =	sadd.s32 $0x16200, s11;
	s6 =	sadd.s32 $0x2200, s29;
	s7 =	sadd.s32 $0xBE40, s29  }
0x11: {  	s9 =	sadd.s32 $0x3F600, s13;
	s11 =	sadd.s32 $0x3F608, s13;
	s13 =	simm.s32 $0x2  }
.LBB2_1:
0x12: {  	[tilespmem:s4], [sflag:$0x2] =	stream.linear.gather [hbm4b:s6+s4], $0x2710, $0x38;
	[tilespmem:$0x1F220] =	vst v63  }
0x13: {  	_ =	swait.ge [sflag:s13], $0x2710  }
0x14: {  	[sflag:s13] =	ssyncset.done $0x0  }
0x15: {  	s25 =	simm.s32 $0x2710;
	[sflag:s13] =	ssyncadd.s32 $0xFFFFD8F0  }
0x16: {  	[tilespmem:s25], [sflag:$0x2] =	stream.linear.gather [hbm4b:s7+s4], $0x2710, $0x38;
	[tilespmem:$0x1F220] =	vst v63  }
0x17: {  	_ =	swait.ge [sflag:s13], $0x2710  }
0x18: {  	[sflag:s13] =	ssyncset.done $0x0  }
0x19: {  	[sflag:s13] =	ssyncadd.s32 $0xFFFFD8F0  }
0x1a: {  	[spmem:s15@s16], [sflag:s14] =	dma.strided [hbm:s8@s17], $0x1400, s20, $0x8   }
0x1b: {  	_ =	swait.ge [sflag:s13], $0x1400  }
0x1c: {  	[sflag:s13] =	ssyncset.done $0x0  }
0x1d: {  	[sflag:s13] =	ssyncadd.s32 $0xFFFFEC00  }
0x1e: {  	[spmem:s18], [sflag:s14] =	dma.local [hbm:s5], $0x1400  }
0x1f: {  	_ =	swait.ge [sflag:s13], $0x1400  }
0x20: {  	[sflag:s13] =	ssyncset.done $0x0  }
0x21: {  	[sflag:s13] =	ssyncadd.s32 $0xFFFFEC00  }
0x22: {  	[bflag:$0x0] =	sbarrier.arrive $0xFFFF  }
0x23: {  	[tilespmem:s19], [sflag:$0x1] =	stream.indirect.gather [spmem:s2], $0x40, s4, s22, $0xb8;
	[tilespmem:$0x1F220] =	vst v63  }
0x24: {  	s26 =	sand.u32 $0x1, s20;
	_ =	swait.ge [sflag:s20], $0x3200  }
0x25: {  	p0 =	seq.s32 s26, $0x1;
	s26 =	simm.s32 $0x8020;
	[sflag:s20] =	ssyncset.done $0x0  }
0x26: {  	s26 =	simm.s32 @!p0 $0x4E20;
	[sflag:s20] =	ssyncadd.s32 $0xFFFFCE00  }
0x27: {  	[tilespmem:s26], [sflag:$0x1] =	stream.indirect.gather [spmem:s2], $0x40, s22, s22, $0xb8;
	[tilespmem:$0x1F220] =	vst v63  }
0x28: {  	s26 =	simm.s32 $0x4E20  }
0x29: {  	s26 =	simm.s32 @!p0 $0x8020  }
0x2a: {  	[spmem:s3] =	stream.indirect.scatter.add.f32 [tilespmem:s26], [sflag:$0x2], $0x40, s25, s22, $0xb8;
	[tilespmem:$0x1F220] =	vst v63  }
0x2b: {  	_ =	swait.ge [sflag:s13], $0x3200  }
0x2c: {  	s28 =	simm.s32 $0xC8;
	s26 =	simm.s32 $0x2;
	[sflag:s13] =	ssyncset.done $0x0  }
.LBB2_2:
0x2d: {  	[sflag:s13] =	ssyncadd.s32 $0xFFFFCE00;
	s25 =	sadd.s32 $0xC8, s25;
	s28 =	sadd.s32 $0xC8, s28  }
0x2e: {  	p0 =	sne.s32 s26, $0x31;
	s29 =	smov.u32 s26;
	s26 =	sadd.s32 $0x1, s26  }
0x2f: {  	s29 =	sand.u32 $0x1, s29;
	_ =	swait.ge [sflag:s20], $0x3200  }
0x30: {  	p1 =	seq.s32 s29, $0x1;
	s29 =	simm.s32 $0x8020;
	[sflag:s20] =	ssyncset.done $0x0  }
0x31: {  	s29 =	simm.s32 @!p1 $0x4E20;
	[sflag:s20] =	ssyncadd.s32 $0xFFFFCE00  }
0x32: {  	[tilespmem:s29], [sflag:$0x1] =	stream.indirect.gather [spmem:s2], $0x40, s28, s22, $0xb8;
	[tilespmem:$0x1F220] =	vst v63  }
.Ltmp0:
0x33: {  	s29 =	simm.s32 $0x4E20;
	(pc) =	sbr.rel @p0 .LBB2_2-.Ltmp0, $4  }
0x34: {  	s29 =	simm.s32 @!p1 $0x8020  }
0x35: {  	[spmem:s3] =	stream.indirect.scatter.add.f32 [tilespmem:s29], [sflag:$0x2], $0x40, s25, s22, $0xb8;
	[tilespmem:$0x1F220] =	vst v63  }
0x36: {  	_ =	swait.ge [sflag:s13], $0x3200  }
0x37: {  	[sflag:s13] =	ssyncset.done $0x0  }
0x38: {  	[sflag:s13] =	ssyncadd.s32 $0xFFFFCE00;
	s26 =	simm.s32 $0x1  }
0x39: {  	_ =	swait.ge [sflag:s26], $0x3200  }
0x3a: {  	[sflag:s26] =	ssyncset.done $0x0  }
0x3b: {  	s25 =	simm.s32 $0xC8;
	[sflag:s26] =	ssyncadd.s32 $0xFFFFCE00  }
0x3c: {  	[spmem:s3] =	stream.indirect.scatter.add.f32 [tilespmem:s21], [sflag:$0x2], $0x40, s23, s25, $0xb8;
	[tilespmem:$0x1F220] =	vst v63  }
0x3d: {  	_ =	swait.ge [sflag:s13], $0x3200  }
0x3e: {  	[sflag:s13] =	ssyncset.done $0x0  }
0x3f: {  	[sflag:s13] =	ssyncadd.s32 $0xFFFFCE00  }
0x40: {  	[bflag:$0x0] =	sbarrier.arrive $0xFFFF  }
0x41: {  	[hbm:s9@s17], [sflag:s14] =	dma.strided [spmem:s18@s16], $0x1400, s26, $0x8   }
0x42: {  	_ =	swait.ge [sflag:s13], $0x1400  }
0x43: {  	[sflag:s13] =	ssyncset.done $0x0  }
0x44: {  	[sflag:s13] =	ssyncadd.s32 $0xFFFFEC00  }
0x45: {  	[spmem:s15@s16], [sflag:s14] =	dma.strided [hbm:s10@s17], $0x1400, s26, $0x8   }
0x46: {  	_ =	swait.ge [sflag:s13], $0x1400  }
0x47: {  	[sflag:s13] =	ssyncset.done $0x0  }
0x48: {  	[sflag:s13] =	ssyncadd.s32 $0xFFFFEC00  }
0x49: {  	[spmem:s18], [sflag:s14] =	dma.local [hbm:s5], $0x1400  }
0x4a: {  	_ =	swait.ge [sflag:s13], $0x1400  }
0x4b: {  	[sflag:s13] =	ssyncset.done $0x0  }
0x4c: {  	[sflag:s13] =	ssyncadd.s32 $0xFFFFEC00  }
0x4d: {  	[bflag:$0x0] =	sbarrier.arrive $0xFFFF  }
0x4e: {  	[tilespmem:s19], [sflag:$0x1] =	stream.indirect.gather [spmem:s2], $0x40, s4, s25, $0xb8;
	[tilespmem:$0x1F220] =	vst v63  }
0x4f: {  	s26 =	sand.u32 $0x1, s26;
	_ =	swait.ge [sflag:s20], $0x3200  }
0x50: {  	p0 =	seq.s32 s26, $0x1;
	s26 =	simm.s32 $0x8020;
	[sflag:s20] =	ssyncset.done $0x0  }
0x51: {  	s28 =	simm.s32 $0x4E20;
	s26 =	simm.s32 @!p0 $0x4E20;
	[sflag:s20] =	ssyncadd.s32 $0xFFFFCE00  }
0x52: {  	[tilespmem:s26], [sflag:$0x1] =	stream.indirect.gather [spmem:s2], $0x40, s25, s22, $0xb8;
	[tilespmem:$0x1F220] =	vst v63  }
0x53: {  	s28 =	simm.s32 @!p0 $0x8020;
	s26 =	simm.s32 $0x2710  }
0x54: {  	[spmem:s3] =	stream.indirect.scatter.add.f32 [tilespmem:s28], [sflag:$0x2], $0x40, s26, s22, $0xb8;
	[tilespmem:$0x1F220] =	vst v63  }
0x55: {  	_ =	swait.ge [sflag:s13], $0x3200  }
0x56: {  	s28 =	simm.s32 $0x2;
	[sflag:s13] =	ssyncset.done $0x0  }
.LBB2_4:
0x57: {  	[sflag:s13] =	ssyncadd.s32 $0xFFFFCE00;
	s26 =	sadd.s32 $0xC8, s26;
	s25 =	sadd.s32 $0xC8, s25  }
0x58: {  	p0 =	sne.s32 s28, $0x31;
	s29 =	smov.u32 s28;
	s28 =	sadd.s32 $0x1, s28  }
0x59: {  	s29 =	sand.u32 $0x1, s29;
	_ =	swait.ge [sflag:s20], $0x3200  }
0x5a: {  	p1 =	seq.s32 s29, $0x1;
	s29 =	simm.s32 $0x8020;
	[sflag:s20] =	ssyncset.done $0x0  }
0x5b: {  	s29 =	simm.s32 @!p1 $0x4E20;
	[sflag:s20] =	ssyncadd.s32 $0xFFFFCE00  }
0x5c: {  	[tilespmem:s29], [sflag:$0x1] =	stream.indirect.gather [spmem:s2], $0x40, s25, s22, $0xb8;
	[tilespmem:$0x1F220] =	vst v63  }
.Ltmp1:
0x5d: {  	s29 =	simm.s32 $0x4E20;
	(pc) =	sbr.rel @p0 .LBB2_4-.Ltmp1, $4  }
0x5e: {  	s29 =	simm.s32 @!p1 $0x8020  }
0x5f: {  	[spmem:s3] =	stream.indirect.scatter.add.f32 [tilespmem:s29], [sflag:$0x2], $0x40, s26, s22, $0xb8;
	[tilespmem:$0x1F220] =	vst v63  }
0x60: {  	_ =	swait.ge [sflag:s13], $0x3200  }
0x61: {  	[sflag:s13] =	ssyncset.done $0x0  }
0x62: {  	[sflag:s13] =	ssyncadd.s32 $0xFFFFCE00  }
0x63: {  	_ =	swait.ge [sflag:s20], $0x3200  }
0x64: {  	[sflag:s20] =	ssyncset.done $0x0  }
0x65: {  	[sflag:s20] =	ssyncadd.s32 $0xFFFFCE00  }
0x66: {  	[spmem:s3] =	stream.indirect.scatter.add.f32 [tilespmem:s21], [sflag:$0x2], $0x40, s23, s22, $0xb8;
	[tilespmem:$0x1F220] =	vst v63  }
0x67: {  	_ =	swait.ge [sflag:s13], $0x3200  }
0x68: {  	s24 =	sadd.s32 $0x1, s24;
	[sflag:s13] =	ssyncset.done $0x0  }
0x69: {  	p0 =	sne.s32 s24, s12;
	[sflag:s13] =	ssyncadd.s32 $0xFFFFCE00  }
.Ltmp2:
0x6a: {  	[bflag:$0x0] =	sbarrier.arrive $0xFFFF;
	(pc) =	sbr.rel @p0 .LBB2_1-.Ltmp2, $4  }
0x6b: {  	[hbm:s11@s17], [sflag:s14] =	dma.strided [spmem:s18@s16], $0x1400, s20, $0x8   }
0x6c: {  	_ =	swait.ge [sflag:s13], $0x1400  }
0x6d: {  	[sflag:s13] =	ssyncset.done $0x0  }
0x6e: {  	[sflag:s13] =	ssyncadd.s32 $0xFFFFEC00  }
0x6f: {  	_ =	sfence.sel $0x180000  }
0x70: {  	[bflag:$0x0] =	sbarrier.arrive $0xFFFF  }
0x71: {  	p0 =	sne.s32 s0, $0x0;
	_ =	strace $0x9000004A  }
0x72: {  	s0 =	sadd.s32 @!p0 $0x100000, s1;
	[bflag:$0x2] =	sbarrier.arrive $0xFFFF  }
0x73: {  	[sflag:s0] =	ssyncadd.tile.s32 @!p0 $0x1;
	_ =	shalt  }
.Lfunc_end2:
_tile_overlayer_lowered:
.L_overlay_start_2:
0x74: {  	(tag) =	ssettag $0x2  }
0x75: {  	s0 =	rddreg [dreg:$0x0];
	s2 =	stileid.u32  }
0x76: {  	s1 =	rddreg [dreg:$0x1];
	p0 =	sne.s32 s2, $0x0  }
0x77: {  	s3 =	rddreg [dreg:$0x2];
	[bflag:$0x3] =	sbarrier.arrive $0xFFFF;
	s2 =	simm.s32 @!p0 $0x1C02  }
0x78: {  	[timem:s3], [sflag:s2] =	dma.local @!p0 [hbm:s0], s1  }
0x79: {  	s0 =	simm.s32 @!p0 $0x2  }
0x7a: {  	_ =	swait.ge @!p0 [sflag:s0], s1  }
0x7b: {  	s1 =	ssub.s32 @!p0 $0x0, s1;
	[sflag:s0] =	ssyncset.done @!p0 $0x0  }
0x7c: {  	[sflag:s0] =	ssyncadd.s32 @!p0 s1  }
0x7d: {  	[bflag:$0x3] =	sbarrier.arrive $0xFFFF  }
0x7e: {  	_ =	shalt  }

// kernel: kernel.15.cloned.1.call-start
scs
__scs_entry_jumppad:
0x0: {  	(pc) =	sbr.rel $0x88, $3  }
0x1: {  	(tag) =	ssettag $0x0;
	lr =	simm.s32 $0x1  }
0x2: {  	[smem:$0x3F98] =	sst lr;
	_ =	strace $0xD0000000  }
0x3: {  	_ = 	snop  }
0x4: {  	_ = 	snop  }
0x5: {  	_ = 	snop  }
0x6: {  	_ = 	snop  }
0x7: {  	_ = 	snop  }
__scs_overlays_trampoline_lowered:
0x8: {  	[smem:$0x3FA7] =	sst s0  }
0x9: {  	[smem:$0x3FA8] =	sst s1  }
0xa: {  	[smem:$0x3FA9] =	sst s2  }
0xb: {  	[smem:$0x3FAA] =	sst s3  }
0xc: {  	[smem:$0x3FAB] =	sst s4  }
0xd: {  	[smem:$0x3FAC] =	sst s5  }
0xe: {  	[smem:$0x3FAD] =	sst s6  }
0xf: {  	[smem:$0x3FAE] =	sst s7  }
0x10: {  	[smem:$0x3FAF] =	sst s8  }
0x11: {  	[smem:$0x3FB0] =	sst s9;
	s0 =	simm.s32 @!p0 $0x0  }
0x12: {  	s1 =	sld [smem:$0x3F96];
	s0 =	simm.s32 @p0 $0x1  }
0x13: {  	[smem:$0x3FB1] =	sst s0;
	s0 =	simm.s32 @!p1 $0x0  }
0x14: {  	s2 =	sld [smem:$0x3F95];
	s0 =	simm.s32 @p1 $0x1  }
0x15: {  	[smem:$0x3FB2] =	sst s0;
	s0 =	simm.s32 @!p2 $0x0  }
0x16: {  	s3 =	sld [smem:$0x3FDB];
	s0 =	simm.s32 @p2 $0x1  }
0x17: {  	s4 =	simm.s32 $0x1BF5;
	[smem:$0x3FB4] =	sst s0  }
0x18: {  	s0 =	sld [smem:$0x3F97];
	_ =	swait.ge [sflag:s4], $0x0  }
0x19: {  	s7 =	sld [smem:$0x3F98]  }
0x1a: {  	s8 =	sadd.s32 $0xFFFFE003, lr  }
0x1b: {  	s9 =	sadd.s32 $0xFFFFFEF7, lr;
	s5 =	simm.s32 $0xFFFFFFFF;
	p2 =	slt.u32 s8, $0xFFFFF086  }
0x1c: {  	p1 =	slt.u32 s9, $0xF7A;
	s5 =	simm.s32 @!p2 $0x0  }
0x1d: {  	s5 =	simm.s32 @p1 $0x1;
	p0 =	seq.s32 s7, s2  }
0x1e: {  	s7 =	smul.u32 @!p0 $0xF7A, s2;
	p2 =	seq.s32 @!p0 s5, $0x0  }
0x1f: {  	s9 =	smul.u32 $0xF7A, s1;
	s8 =	simm.s32 @!p0 $0x1BF5;
	p2 =	por !p2, p0  }
0x20: {  	[sflag:s8] =	ssyncset.s32 @!p0 $0xFFFFF086;
	s6 =	sadd.s32 @!p0 s3, s7;
	s7 =	simm.s32 @!p0 $0x108  }
0x21: {  	s3 =	sadd.s32 s3, s9;
	s6 =	sadd.s32 @!p0 $0x88, s6;
	s7 =	simm.s32 @p2 $0x1082  }
0x22: {  	[simem:s7], [sflag:s8] =	dma.local @!p0 [hbm:s6], $0xF7A  }
0x23: {  	s9 =	sor.u32 $0xD0000000, s2;
	s6 =	simm.s32 $0x108;
	_ =	swait.ge @!p0 [sflag:s8], $0x0  }
0x24: {  	s3 =	sadd.s32 $0x88, s3;
	s6 =	simm.s32 @!p1 $0x1082;
	[sflag:s4] =	ssyncset.s32 $0xFFFFF086  }
0x25: {  	[simem:s6], [sflag:s4] =	dma.local [hbm:s3], $0xF7A  }
0x26: {  	[smem:$0x3F98] =	sst s1;
	(tag) =	ssettag s2;
	_ =	strace s9  }
0x27: {  	s1 =	sld [smem:$0x3FA8]  }
0x28: {  	s2 =	sld [smem:$0x3FA9]  }
0x29: {  	s4 =	sld [smem:$0x3FAB]  }
0x2a: {  	p0 =	seq.s32 s5, $0x0;
	s5 =	sld [smem:$0x3FAC]  }
0x2b: {  	s6 =	sld [smem:$0x3FAD]  }
0x2c: {  	s7 =	sld [smem:$0x3FAE]  }
0x2d: {  	s3 =	simm.s32 $0x108;
	s8 =	sld [smem:$0x3FAF]  }
0x2e: {  	s3 =	simm.s32 @!p0 $0x1082;
	s9 =	sld [smem:$0x3FB0]  }
0x2f: {  	lr =	sadd.s32 s0, s3;
	s0 =	sld [smem:$0x3FA7]  }
0x30: {  	s3 =	sld [smem:$0x3FAA]  }
0x31: {  	[smem:$0x3FB3] =	sst s10  }
0x32: {  	s10 =	sld [smem:$0x3FB1];
	_ =	sdelay $0x3  }
0x33: {  	p0 =	seq.s32 s10, $0x1;
	s10 =	sld [smem:$0x3FB3];
	_ =	sdelay $0x3  }
0x34: {  	[smem:$0x3FB3] =	sst s10  }
0x35: {  	s10 =	sld [smem:$0x3FB2];
	_ =	sdelay $0x3  }
0x36: {  	p1 =	seq.s32 s10, $0x1;
	s10 =	sld [smem:$0x3FB3];
	_ =	sdelay $0x3  }
0x37: {  	[smem:$0x3FB3] =	sst s10  }
0x38: {  	s10 =	sld [smem:$0x3FB4]  }
0x39: {  	_ = 	snop;
	(pc) =	sbr.ind lr, $3  }
0x3a: {  	_ = 	snop  }
0x3b: {  	_ = 	snop  }
0x3c: {  	p2 =	seq.s32 s10, $0x1;
	s10 =	sld [smem:$0x3FB3]  }
0x3d: {  	_ =	shalt  }
0x3e: {  	_ =	shalt  }
0x3f: {  	_ =	shalt  }
0x40: {  	_ =	shalt  }
0x41: {  	_ =	shalt  }
0x42: {  	_ =	shalt  }
0x43: {  	_ =	shalt  }
0x44: {  	_ =	shalt  }
0x45: {  	_ =	shalt  }
0x46: {  	_ =	shalt  }
0x47: {  	_ =	shalt  }
0x48: {  	_ =	shalt  }
0x49: {  	_ =	shalt  }
0x4a: {  	_ =	shalt  }
0x4b: {  	_ =	shalt  }
0x4c: {  	_ =	shalt  }
0x4d: {  	_ =	shalt  }
0x4e: {  	_ =	shalt  }
0x4f: {  	_ =	shalt  }
0x50: {  	_ =	shalt  }
0x51: {  	_ =	shalt  }
0x52: {  	_ =	shalt  }
0x53: {  	_ =	shalt  }
0x54: {  	_ =	shalt  }
0x55: {  	_ =	shalt  }
0x56: {  	_ =	shalt  }
0x57: {  	_ =	shalt  }
0x58: {  	_ =	shalt  }
0x59: {  	_ =	shalt  }
0x5a: {  	_ =	shalt  }
0x5b: {  	_ =	shalt  }
0x5c: {  	_ =	shalt  }
0x5d: {  	_ =	shalt  }
0x5e: {  	_ =	shalt  }
0x5f: {  	_ =	shalt  }
0x60: {  	_ =	shalt  }
0x61: {  	_ =	shalt  }
0x62: {  	_ =	shalt  }
0x63: {  	_ =	shalt  }
0x64: {  	_ =	shalt  }
0x65: {  	_ =	shalt  }
0x66: {  	_ =	shalt  }
0x67: {  	_ =	shalt  }
0x68: {  	_ =	shalt  }
0x69: {  	_ =	shalt  }
0x6a: {  	_ =	shalt  }
0x6b: {  	_ =	shalt  }
0x6c: {  	_ =	shalt  }
0x6d: {  	_ =	shalt  }
0x6e: {  	_ =	shalt  }
0x6f: {  	_ =	shalt  }
0x70: {  	_ =	shalt  }
0x71: {  	_ =	shalt  }
0x72: {  	_ =	shalt  }
0x73: {  	_ =	shalt  }
0x74: {  	_ =	shalt  }
0x75: {  	_ =	shalt  }
0x76: {  	_ =	shalt  }
0x77: {  	_ =	shalt  }
0x78: {  	_ =	shalt  }
0x79: {  	_ =	shalt  }
0x7a: {  	_ =	shalt  }
0x7b: {  	_ =	shalt  }
0x7c: {  	_ =	shalt  }
0x7d: {  	_ =	shalt  }
0x7e: {  	_ =	shalt  }
0x7f: {  	_ =	shalt  }
0x80: {  	_ =	shalt  }
0x81: {  	_ =	shalt  }
0x82: {  	_ =	shalt  }
0x83: {  	_ =	shalt  }
0x84: {  	_ =	shalt  }
0x85: {  	_ =	shalt  }
0x86: {  	_ =	shalt  }
0x87: {  	_ =	shalt  }
.Lfunc_end0:
.L_simem_size_0:
called_computation.2_lowered:
.L_overlay_start_0:
0x88: {  	s2 =	sld [smem:$0x3FD9]  }
0x89: {  	s3 =	sld [smem:$0x3FFE];
	_ =	sdelay $0x1  }
0x8a: {  	s1 =	srdreg.scid  }
0x8b: {  	s0 =	sand.u32 $0x1, s1  }
0x8c: {  	s16 =	sshll.u32 s0, $0xA;
	s2 =	sadd.s32 s3, s2  }
0x8d: {  	s2 =	sadd.s32 s2, s16  }
0x8e: {  	[smem:$0x3FBF] =	sst s2  }
0x8f: {  	_ = 	snop  }
0x90: {  	(tm) =	ssettm $0x1  }
0x91: {  	s17 =	sld [smem:$0x3FFB];
	_ =	sdelay $0x3  }
0x92: {  	_ =	strace s17  }
0x93: {  	s2 =	sld [smem:$0x3FFC];
	_ =	sdelay $0x3  }
0x94: {  	_ =	strace s2  }
0x95: {  	s2 =	sld [smem:$0x3FFD];
	_ =	sdelay $0x3  }
0x96: {  	_ =	strace s2  }
0x97: {  	_ =	strace $0x8FFFFFFF  }
0x98: {  	s18 =	sld [smem:$0x3FDB];
	_ =	sdelay $0x1  }
0x99: {  	s19 =	simm.s32 $_scs_section_size  }
0x9a: {  	s4 =	simm.s32 $_size__tile_overlayer_lowered;
	s5 =	simm.s32 $_tile_overlayer_lowered  }
0x9b: {  	s22 =	simm.s32 $0x1BFF;
	s21 =	sshll.u32 s5, $0x1;
	s2 =	sadd.s32 s19, s18  }
0x9c: {  	s6 =	simm.s32 $0x0;
	s20 =	sshll.u32 s4, $0x1;
	s4 =	sadd.s32 s21, s2  }
0x9d: {  	[timem:s6], [sflag:s22] =	dma.local [hbm:s4], s20  }
0x9e: {  	_ =	swait.ge [sflag:s22], s20  }
0x9f: {  	s3 =	ssub.s32 $0x0, s20;
	[sflag:s22] =	ssyncset.done $0x0  }
0xa0: {  	[sflag:s22] =	ssyncadd.s32 s3;
	_ =	sdelay $0x1  }
0xa1: {  	s23 =	simm.s32 $0x1B8B  }
0xa2: {  	_ =	swait.ge [sflag:s23], $0x1  }
0xa3: {  	[sflag:s23] =	ssyncset.done $0x0  }
0xa4: {  	s25 =	simm.s32 $0x1B8E;
	s24 =	sld [smem:$0x3FFE];
	[sflag:s23] =	ssyncadd.s32 $0xFFFFFFFF  }
0xa5: {  	s26 =	simm.s32 $execute0_lowered;
	[smem:$0x3FD2] =	sst s25  }
0xa6: {  	s4 =	sshll.u32 s26, $0x1;
	_ =	strace $0x8000004C;
	[dreg:$0x1] =	wrdreg $0xFFFFFFFF  }
0xa7: {  	s28 =	simm.s32 $_size_execute0_lowered;
	s2 =	sadd.s32 s2, s4;
	[dreg:$0x0] =	wrdreg $0x0  }
0xa8: {  	s4 =	sshll.u32 s28, $0x1;
	[dreg:$0x2] =	wrdreg s2  }
0xa9: {  	[dreg:$0x3] =	wrdreg s4  }
0xaa: {  	[dreg:$0x4] =	wrdreg $0xC0  }
0xab: {  	_ =	task [dreg:s6], $0x5FFFF  }
0xac: {  	[dreg:$0x1] =	wrdreg $0xFFFFFFFF  }
0xad: {  	[dreg:$0x0] =	wrdreg $0x60  }
0xae: {  	[dreg:$0x2] =	wrdreg s24  }
0xaf: {  	[dreg:$0x3] =	wrdreg $0xCB200  }
0xb0: {  	[dreg:$0x4] =	wrdreg $0xF3200  }
0xb1: {  	[dreg:$0x5] =	wrdreg $0x9  }
0xb2: {  	_ =	task.clear_ibuf [dreg:s6], $0x6FFFF;
	_ =	strace $0x9000004C  }
0xb3: {  	s29 =	simm.s32 $0x9;
	_ =	strace $0x8000004E  }
0xb4: {  	_ =	swait.ge [sflag:s29], $0x1  }
0xb5: {  	[sflag:s29] =	ssyncadd.s32 $0xFFFFFFFF  }
0xb6: {  	_ =	strace $0x9000004E  }
0xb7: {  	_ =	sfence  }
0xb8: {  	s30 =	sld [smem:$0x0];
	_ =	sdelay $0x2  }
0xb9: {  	s31 =	sshll.u32 s1, $0xD;
	s1 =	sshrl.u32 s1, $0x2  }
0xba: {  	s3 =	sand.u32 $0x4000, s31;
	s1 =	sadd.s32 s1, s30  }
0xbb: {  	s0 =	sor.u32 s3, s0;
	s1 =	sshll.u32 s1, $0x11  }
0xbc: {  	s0 =	sor.u32 s1, s0  }
0xbd: {  	s0 =	sadd.s32 $0x8F2B, s0  }
0xbe: {  	[sflag:s0] =	ssyncadd.remote.s32 $0x1  }
0xbf: {  	_ =	sfence.sel $0xFFFF  }
0xc0: {  	[dreg:$0x0] =	wrdreg $0xFFFFFFFF;
	(pc) =	sbr.abs _section_cstart, $3  }
0xc1: {  	[dreg:$0x1] =	wrdreg $0xFFFFFFFF  }
0xc2: {  	_ =	task.clear_ibuf [dreg:s6], $0x2FFFF;
	_ =	strace $0x9FFFFFFF  }
0xc3: {  	(tm) =	ssettm $0x7FFFFFFF  }
tec
execute0_lowered:
.L_overlay_start_1:
0x0: {  	(tag) =	ssettag $0x1  }
0x1: {  	s1 =	rddreg [dreg:$0x0];
	s12 =	stileid.u32  }
0x2: {  	s2 =	srdreg.scid;
	s3 =	rddreg [dreg:$0x1]  }
0x3: {  	s18 =	simm.s32 $0x0;
	s29 =	simm.s32 $0x2710;
	s10 =	simm.s32 $0x8CA0  }
0x4: {  	s30 =	simm.s32 $0x7D0;
	s31 =	simm.s32 $0x2AF8;
	s28 =	simm.s32 $0x2EE0  }
0x5: {  	s24 =	simm.s32 $0xFA0;
	s25 =	simm.s32 $0x32C8;
	s22 =	simm.s32 $0x1388  }
0x6: {  	s23 =	simm.s32 $0x36B0;
	s20 =	simm.s32 $0x1770;
	s21 =	simm.s32 $0x3A98  }
0x7: {  	p0 =	por $0x0, $0x0;
	s4 =	sand.u32 $0x1, s2;
	s2 =	rddreg [dreg:$0x2]  }
0x8: {  	s5 =	sshll.u32 s12, $0x1;
	s6 =	smul.u32 $0x14000, s12;
	[smem:$0x7FF] =	sst s18  }
0x9: {  	s9 =	sadd.s32 $0x15C00, s1;
	s14 =	smul.u32 $0x2800, s12;
	s26 =	sshll.u32 s12, $0x6  }
0xa: {  	s5 =	sor.u32 s4, s5;
	s8 =	smul.u32 $0x140000, s4;
	_ =	strace $0x8000004D  }
0xb: {  	[dreg:$0x4] =	wrdreg s9;
	s4 =	ssub.s32 $0x2, s4;
	s9 =	simm.s32 $0x3E8  }
0xc: {  	s5 =	smul.u32 $0x2710, s5;
	s7 =	sshrl.u32 s6, $0x3;
	s13 =	sshrl.u32 s4, $0x1  }
0xd: {  	s16 =	sadd.s32 s14, s3;
	s17 =	sadd.s32 s14, s2;
	s14 =	simm.s32 $0x4650  }
0xe: {  	s7 =	sadd.s32 s7, s1;
	s6 =	sadd.s32 s6, s8;
	s4 =	ssub.s32 s4, s13  }
0xf: {  	s8 =	sshrl.u32 s17, $0x3;
	s17 =	simm.s32 $0x1B58;
	s13 =	simm.s32 $0x2328  }
0x10: {  	s5 =	sshrl.u32 s5, $0x3;
	s6 =	sshrl.u32 s6, $0x3;
	s15 =	sadd.s32 $0x16200, s7  }
0x11: {  	s19 =	smax.u32 s4, $0x1;
	s4 =	simm.s32 $0x2;
	s7 =	simm.s32 $0x10  }
0x12: {  	s5 =	sadd.s32 s5, s1;
	s1 =	sadd.s32 s6, s1;
	[dreg:$0x7] =	wrdreg s15  }
0x13: {  	s6 =	sshrl.u32 s16, $0x3;
	p1 =	sne.s32 s19, $0x1;
	s0 =	sadd.s32 $0xFFFFFFFF, s19  }
.Ltmp0:
0x14: {  	s11 =	sadd.s32 $0x2200, s5;
	[dreg:$0x9] =	wrdreg s6;
	(pc) =	sbr.rel @!p1 .LBB2_5-.Ltmp0, $4  }
0x15: {  	s19 =	simm.s32 $0x3E80;
	s5 =	sadd.s32 $0xBE40, s5;
	[dreg:$0x5] =	wrdreg s11  }
0x16: {  	s15 =	simm.s32 $0x1F40;
	s1 =	sadd.s32 $0x3E200, s1;
	[dreg:$0x6] =	wrdreg s5  }
0x17: {  	s16 =	simm.s32 $0x4268;
	s6 =	simm.s32 $0x1;
	[dreg:$0x8] =	wrdreg s1  }
0x18: {  	s5 =	sor.u32 $0x1C02, s26;
	s11 =	simm.s32 $0x4E20;
	s26 =	simm.s32 $0xBB8  }
0x19: {  	s1 =	rddreg [dreg:$0x5]  }
0x1a: {  	[tilespmem:s18], [sflag:$0x2] =	stream.linear.gather [hbm4b:s1+s18], $0x2710, $0x38;
	[tilespmem:$0x11B20] =	vst v63  }
0x1b: {  	_ =	swait.ge [sflag:s4], $0x2710  }
0x1c: {  	[sflag:s4] =	ssyncset.done $0x0  }
0x1d: {  	s1 =	rddreg [dreg:$0x6];
	[sflag:s4] =	ssyncadd.s32 $0xFFFFD8F0  }
0x1e: {  	[tilespmem:s29], [sflag:$0x2] =	stream.linear.gather [hbm4b:s1+s18], $0x2710, $0x38;
	[tilespmem:$0x11B20] =	vst v63  }
0x1f: {  	_ =	swait.ge [sflag:s4], $0x2710  }
0x20: {  	s12 =	smov.u32 s0;
	s0 =	rddreg [dreg:$0x7];
	[sflag:s4] =	ssyncset.done $0x0  }
0x21: {  	s1 =	rddreg [dreg:$0x9];
	[sflag:s4] =	ssyncadd.s32 $0xFFFFD8F0  }
0x22: {  	[spmem:s1@s4], [sflag:s5] =	dma.strided [hbm:s0@s7], $0x500, s6, $0x2   }
0x23: {  	_ =	swait.ge [sflag:s4], $0x500  }
0x24: {  	[sflag:s4] =	ssyncset.done $0x0  }
0x25: {  	s1 =	rddreg [dreg:$0x4];
	[sflag:s4] =	ssyncadd.s32 $0xFFFFFB00  }
0x26: {  	[spmem:s8], [sflag:s5] =	dma.local [hbm:s1], $0x500  }
0x27: {  	_ =	swait.ge [sflag:s4], $0x500  }
0x28: {  	[sflag:s4] =	ssyncset.done $0x0  }
0x29: {  	[sflag:s4] =	ssyncadd.s32 $0xFFFFFB00  }
0x2a: {  	[bflag:$0x0] =	sbarrier.arrive $0xFFFF  }
0x2b: {  	[tilespmem:s11], [sflag:$0x1] =	stream.indirect.gather [spmem:s3], $0x10, s18, s9, $0xb8;
	[tilespmem:$0x11B20] =	vst v63  }
0x2c: {  	_ =	swait.ge [sflag:s6], $0x3E80  }
0x2d: {  	[sflag:s6] =	ssyncset.done $0x0  }
0x2e: {  	[sflag:s6] =	ssyncadd.s32 $0xFFFFC180  }
0x2f: {  	[tilespmem:s10], [sflag:$0x1] =	stream.indirect.gather [spmem:s3], $0x10, s9, s9, $0xb8;
	[tilespmem:$0x11B20] =	vst v63  }
0x30: {  	_ = 	snop  }
0x31: {  	[spmem:s2] =	stream.indirect.scatter.add.f32 [tilespmem:s11], [sflag:$0x2], $0x10, s29, s9, $0xb8;
	[tilespmem:$0x11B20] =	vst v63  }
0x32: {  	_ =	swait.ge [sflag:s4], $0x3E80  }
0x33: {  	[sflag:s4] =	ssyncset.done $0x0  }
0x34: {  	[sflag:s4] =	ssyncadd.s32 $0xFFFFC180  }
0x35: {  	_ =	swait.ge [sflag:s6], $0x3E80  }
0x36: {  	[sflag:s6] =	ssyncset.done $0x0  }
0x37: {  	[sflag:s6] =	ssyncadd.s32 $0xFFFFC180  }
0x38: {  	[tilespmem:s11], [sflag:$0x1] =	stream.indirect.gather [spmem:s3], $0x10, s30, s9, $0xb8;
	[tilespmem:$0x11B20] =	vst v63  }
0x39: {  	_ = 	snop  }
0x3a: {  	[spmem:s2] =	stream.indirect.scatter.add.f32 [tilespmem:s10], [sflag:$0x2], $0x10, s31, s9, $0xb8;
	[tilespmem:$0x11B20] =	vst v63  }
0x3b: {  	_ =	swait.ge [sflag:s4], $0x3E80  }
0x3c: {  	[sflag:s4] =	ssyncset.done $0x0  }
0x3d: {  	[sflag:s4] =	ssyncadd.s32 $0xFFFFC180  }
0x3e: {  	_ =	swait.ge [sflag:s6], $0x3E80  }
0x3f: {  	[sflag:s6] =	ssyncset.done $0x0  }
0x40: {  	[sflag:s6] =	ssyncadd.s32 $0xFFFFC180  }
0x41: {  	[tilespmem:s10], [sflag:$0x1] =	stream.indirect.gather [spmem:s3], $0x10, s26, s9, $0xb8;
	[tilespmem:$0x11B20] =	vst v63  }
0x42: {  	_ = 	snop  }
0x43: {  	[spmem:s2] =	stream.indirect.scatter.add.f32 [tilespmem:s11], [sflag:$0x2], $0x10, s28, s9, $0xb8;
	[tilespmem:$0x11B20] =	vst v63  }
0x44: {  	_ =	swait.ge [sflag:s4], $0x3E80  }
0x45: {  	[sflag:s4] =	ssyncset.done $0x0  }
0x46: {  	[sflag:s4] =	ssyncadd.s32 $0xFFFFC180  }
0x47: {  	_ =	swait.ge [sflag:s6], $0x3E80  }
0x48: {  	[sflag:s6] =	ssyncset.done $0x0  }
0x49: {  	[sflag:s6] =	ssyncadd.s32 $0xFFFFC180  }
0x4a: {  	[tilespmem:s11], [sflag:$0x1] =	stream.indirect.gather [spmem:s3], $0x10, s24, s9, $0xb8;
	[tilespmem:$0x11B20] =	vst v63  }
0x4b: {  	_ = 	snop  }
0x4c: {  	[spmem:s2] =	stream.indirect.scatter.add.f32 [tilespmem:s10], [sflag:$0x2], $0x10, s25, s9, $0xb8;
	[tilespmem:$0x11B20] =	vst v63  }
0x4d: {  	_ =	swait.ge [sflag:s4], $0x3E80  }
0x4e: {  	[sflag:s4] =	ssyncset.done $0x0  }
0x4f: {  	[sflag:s4] =	ssyncadd.s32 $0xFFFFC180  }
0x50: {  	_ =	swait.ge [sflag:s6], $0x3E80  }
0x51: {  	[sflag:s6] =	ssyncset.done $0x0  }
0x52: {  	[sflag:s6] =	ssyncadd.s32 $0xFFFFC180  }
0x53: {  	[tilespmem:s10], [sflag:$0x1] =	stream.indirect.gather [spmem:s3], $0x10, s22, s9, $0xb8;
	[tilespmem:$0x11B20] =	vst v63  }
0x54: {  	_ = 	snop  }
0x55: {  	[spmem:s2] =	stream.indirect.scatter.add.f32 [tilespmem:s11], [sflag:$0x2], $0x10, s23, s9, $0xb8;
	[tilespmem:$0x11B20] =	vst v63  }
0x56: {  	_ =	swait.ge [sflag:s4], $0x3E80  }
0x57: {  	[sflag:s4] =	ssyncset.done $0x0  }
0x58: {  	[sflag:s4] =	ssyncadd.s32 $0xFFFFC180  }
0x59: {  	_ =	swait.ge [sflag:s6], $0x3E80  }
0x5a: {  	[sflag:s6] =	ssyncset.done $0x0  }
0x5b: {  	[sflag:s6] =	ssyncadd.s32 $0xFFFFC180  }
0x5c: {  	[tilespmem:s11], [sflag:$0x1] =	stream.indirect.gather [spmem:s3], $0x10, s20, s9, $0xb8;
	[tilespmem:$0x11B20] =	vst v63  }
0x5d: {  	_ = 	snop  }
0x5e: {  	[spmem:s2] =	stream.indirect.scatter.add.f32 [tilespmem:s10], [sflag:$0x2], $0x10, s21, s9, $0xb8;
	[tilespmem:$0x11B20] =	vst v63  }
0x5f: {  	_ =	swait.ge [sflag:s4], $0x3E80  }
0x60: {  	[sflag:s4] =	ssyncset.done $0x0  }
0x61: {  	[sflag:s4] =	ssyncadd.s32 $0xFFFFC180  }
0x62: {  	_ =	swait.ge [sflag:s6], $0x3E80  }
0x63: {  	[sflag:s6] =	ssyncset.done $0x0  }
0x64: {  	[sflag:s6] =	ssyncadd.s32 $0xFFFFC180  }
0x65: {  	[tilespmem:s10], [sflag:$0x1] =	stream.indirect.gather [spmem:s3], $0x10, s17, s9, $0xb8;
	[tilespmem:$0x11B20] =	vst v63  }
0x66: {  	_ = 	snop  }
0x67: {  	[spmem:s2] =	stream.indirect.scatter.add.f32 [tilespmem:s11], [sflag:$0x2], $0x10, s19, s9, $0xb8;
	[tilespmem:$0x11B20] =	vst v63  }
0x68: {  	_ =	swait.ge [sflag:s4], $0x3E80  }
0x69: {  	[sflag:s4] =	ssyncset.done $0x0  }
0x6a: {  	[sflag:s4] =	ssyncadd.s32 $0xFFFFC180  }
0x6b: {  	_ =	swait.ge [sflag:s6], $0x3E80  }
0x6c: {  	[sflag:s6] =	ssyncset.done $0x0  }
0x6d: {  	[sflag:s6] =	ssyncadd.s32 $0xFFFFC180  }
0x6e: {  	[tilespmem:s11], [sflag:$0x1] =	stream.indirect.gather [spmem:s3], $0x10, s15, s9, $0xb8;
	[tilespmem:$0x11B20] =	vst v63  }
0x6f: {  	_ = 	snop  }
0x70: {  	[spmem:s2] =	stream.indirect.scatter.add.f32 [tilespmem:s10], [sflag:$0x2], $0x10, s16, s9, $0xb8;
	[tilespmem:$0x11B20] =	vst v63  }
0x71: {  	_ =	swait.ge [sflag:s4], $0x3E80  }
0x72: {  	[sflag:s4] =	ssyncset.done $0x0  }
0x73: {  	[sflag:s4] =	ssyncadd.s32 $0xFFFFC180  }
0x74: {  	_ =	swait.ge [sflag:s6], $0x3E80  }
0x75: {  	[sflag:s6] =	ssyncset.done $0x0  }
0x76: {  	[sflag:s6] =	ssyncadd.s32 $0xFFFFC180  }
0x77: {  	[tilespmem:s10], [sflag:$0x1] =	stream.indirect.gather [spmem:s3], $0x10, s13, s9, $0xb8;
	[tilespmem:$0x11B20] =	vst v63  }
0x78: {  	_ = 	snop  }
0x79: {  	[spmem:s2] =	stream.indirect.scatter.add.f32 [tilespmem:s11], [sflag:$0x2], $0x10, s14, s9, $0xb8;
	[tilespmem:$0x11B20] =	vst v63  }
0x7a: {  	_ =	swait.ge [sflag:s4], $0x3E80  }
0x7b: {  	[sflag:s4] =	ssyncset.done $0x0  }
0x7c: {  	[sflag:s4] =	ssyncadd.s32 $0xFFFFC180  }
0x7d: {  	_ =	swait.ge [sflag:s6], $0x3E80  }
0x7e: {  	[sflag:s6] =	ssyncset.done $0x0  }
0x7f: {  	s1 =	simm.s32 $0x4A38;
	[sflag:s6] =	ssyncadd.s32 $0xFFFFC180  }
0x80: {  	[spmem:s2] =	stream.indirect.scatter.add.f32 [tilespmem:s10], [sflag:$0x2], $0x10, s1, s9, $0xb8;
	[tilespmem:$0x11B20] =	vst v63  }
0x81: {  	_ =	swait.ge [sflag:s4], $0x3E80  }
0x82: {  	p1 =	sne.s32 s12, $0x1;
	[sflag:s4] =	ssyncset.done $0x0  }
.Ltmp1:
0x83: {  	[sflag:s4] =	ssyncadd.s32 $0xFFFFC180;
	(pc) =	sbr.rel @!p1 .LBB2_2-.Ltmp1, $4  }
0x84: {  	[bflag:$0x0] =	sbarrier.arrive $0xFFFF  }
0x85: {  	s1 =	rddreg [dreg:$0x8]  }
0x86: {  	[hbm:s1@s7], [sflag:s5] =	dma.strided [spmem:s8@s4], $0x500, s6, $0x2   }
0x87: {  	p0 =	por $0x1, $0x1;
	s1 =	sadd.s32 $0xFFFFFFFF, s12;
	_ =	swait.ge [sflag:s4], $0x500  }
.LBB2_3:
0x88: {  	[sflag:s4] =	ssyncset.done $0x0  }
0x89: {  	s0 =	rddreg [dreg:$0x5];
	[sflag:s4] =	ssyncadd.s32 $0xFFFFFB00  }
0x8a: {  	[tilespmem:s18], [sflag:$0x2] =	stream.linear.gather [hbm4b:s0+s18], $0x2710, $0x38;
	[tilespmem:$0x11B20] =	vst v63  }
0x8b: {  	_ =	swait.ge [sflag:s4], $0x2710  }
0x8c: {  	[sflag:s4] =	ssyncset.done $0x0  }
0x8d: {  	s12 =	rddreg [dreg:$0x6];
	[sflag:s4] =	ssyncadd.s32 $0xFFFFD8F0  }
0x8e: {  	[tilespmem:s29], [sflag:$0x2] =	stream.linear.gather [hbm4b:s12+s18], $0x2710, $0x38;
	[tilespmem:$0x11B20] =	vst v63  }
0x8f: {  	_ =	swait.ge [sflag:s4], $0x2710  }
0x90: {  	[sflag:s4] =	ssyncset.done $0x0;
	s0 =	rddreg [dreg:$0x7]  }
0x91: {  	s12 =	rddreg [dreg:$0x9];
	[sflag:s4] =	ssyncadd.s32 $0xFFFFD8F0  }
0x92: {  	[spmem:s12@s4], [sflag:s5] =	dma.strided [hbm:s0@s7], $0x500, s6, $0x2   }
0x93: {  	_ =	swait.ge [sflag:s4], $0x500  }
0x94: {  	[sflag:s4] =	ssyncset.done $0x0  }
0x95: {  	s12 =	rddreg [dreg:$0x4];
	[sflag:s4] =	ssyncadd.s32 $0xFFFFFB00  }
0x96: {  	[spmem:s8], [sflag:s5] =	dma.local [hbm:s12], $0x500  }
0x97: {  	_ =	swait.ge [sflag:s4], $0x500  }
0x98: {  	[sflag:s4] =	ssyncset.done $0x0  }
0x99: {  	[sflag:s4] =	ssyncadd.s32 $0xFFFFFB00  }
0x9a: {  	[bflag:$0x0] =	sbarrier.arrive $0xFFFF  }
0x9b: {  	[tilespmem:s11], [sflag:$0x1] =	stream.indirect.gather [spmem:s3], $0x10, s18, s9, $0xb8;
	[tilespmem:$0x11B20] =	vst v63  }
0x9c: {  	_ =	swait.ge [sflag:s6], $0x3E80  }
0x9d: {  	[sflag:s6] =	ssyncset.done $0x0  }
0x9e: {  	[sflag:s6] =	ssyncadd.s32 $0xFFFFC180  }
0x9f: {  	[tilespmem:s10], [sflag:$0x1] =	stream.indirect.gather [spmem:s3], $0x10, s9, s9, $0xb8;
	[tilespmem:$0x11B20] =	vst v63  }
0xa0: {  	_ = 	snop  }
0xa1: {  	[spmem:s2] =	stream.indirect.scatter.add.f32 [tilespmem:s11], [sflag:$0x2], $0x10, s29, s9, $0xb8;
	[tilespmem:$0x11B20] =	vst v63  }
0xa2: {  	_ =	swait.ge [sflag:s4], $0x3E80  }
0xa3: {  	[sflag:s4] =	ssyncset.done $0x0  }
0xa4: {  	[sflag:s4] =	ssyncadd.s32 $0xFFFFC180  }
0xa5: {  	_ =	swait.ge [sflag:s6], $0x3E80  }
0xa6: {  	[sflag:s6] =	ssyncset.done $0x0  }
0xa7: {  	[sflag:s6] =	ssyncadd.s32 $0xFFFFC180  }
0xa8: {  	[tilespmem:s11], [sflag:$0x1] =	stream.indirect.gather [spmem:s3], $0x10, s30, s9, $0xb8;
	[tilespmem:$0x11B20] =	vst v63  }
0xa9: {  	_ = 	snop  }
0xaa: {  	[spmem:s2] =	stream.indirect.scatter.add.f32 [tilespmem:s10], [sflag:$0x2], $0x10, s31, s9, $0xb8;
	[tilespmem:$0x11B20] =	vst v63  }
0xab: {  	_ =	swait.ge [sflag:s4], $0x3E80  }
0xac: {  	[sflag:s4] =	ssyncset.done $0x0  }
0xad: {  	[sflag:s4] =	ssyncadd.s32 $0xFFFFC180  }
0xae: {  	_ =	swait.ge [sflag:s6], $0x3E80  }
0xaf: {  	[sflag:s6] =	ssyncset.done $0x0  }
0xb0: {  	[sflag:s6] =	ssyncadd.s32 $0xFFFFC180  }
0xb1: {  	[tilespmem:s10], [sflag:$0x1] =	stream.indirect.gather [spmem:s3], $0x10, s26, s9, $0xb8;
	[tilespmem:$0x11B20] =	vst v63  }
0xb2: {  	_ = 	snop  }
0xb3: {  	[spmem:s2] =	stream.indirect.scatter.add.f32 [tilespmem:s11], [sflag:$0x2], $0x10, s28, s9, $0xb8;
	[tilespmem:$0x11B20] =	vst v63  }
0xb4: {  	_ =	swait.ge [sflag:s4], $0x3E80  }
0xb5: {  	[sflag:s4] =	ssyncset.done $0x0  }
0xb6: {  	[sflag:s4] =	ssyncadd.s32 $0xFFFFC180  }
0xb7: {  	_ =	swait.ge [sflag:s6], $0x3E80  }
0xb8: {  	[sflag:s6] =	ssyncset.done $0x0  }
0xb9: {  	[sflag:s6] =	ssyncadd.s32 $0xFFFFC180  }
0xba: {  	[tilespmem:s11], [sflag:$0x1] =	stream.indirect.gather [spmem:s3], $0x10, s24, s9, $0xb8;
	[tilespmem:$0x11B20] =	vst v63  }
0xbb: {  	_ = 	snop  }
0xbc: {  	[spmem:s2] =	stream.indirect.scatter.add.f32 [tilespmem:s10], [sflag:$0x2], $0x10, s25, s9, $0xb8;
	[tilespmem:$0x11B20] =	vst v63  }
0xbd: {  	_ =	swait.ge [sflag:s4], $0x3E80  }
0xbe: {  	[sflag:s4] =	ssyncset.done $0x0  }
0xbf: {  	[sflag:s4] =	ssyncadd.s32 $0xFFFFC180  }
0xc0: {  	_ =	swait.ge [sflag:s6], $0x3E80  }
0xc1: {  	[sflag:s6] =	ssyncset.done $0x0  }
0xc2: {  	[sflag:s6] =	ssyncadd.s32 $0xFFFFC180  }
0xc3: {  	[tilespmem:s10], [sflag:$0x1] =	stream.indirect.gather [spmem:s3], $0x10, s22, s9, $0xb8;
	[tilespmem:$0x11B20] =	vst v63  }
0xc4: {  	_ = 	snop  }
0xc5: {  	[spmem:s2] =	stream.indirect.scatter.add.f32 [tilespmem:s11], [sflag:$0x2], $0x10, s23, s9, $0xb8;
	[tilespmem:$0x11B20] =	vst v63  }
0xc6: {  	_ =	swait.ge [sflag:s4], $0x3E80  }
0xc7: {  	[sflag:s4] =	ssyncset.done $0x0  }
0xc8: {  	[sflag:s4] =	ssyncadd.s32 $0xFFFFC180  }
0xc9: {  	_ =	swait.ge [sflag:s6], $0x3E80  }
0xca: {  	[sflag:s6] =	ssyncset.done $0x0  }
0xcb: {  	[sflag:s6] =	ssyncadd.s32 $0xFFFFC180  }
0xcc: {  	[tilespmem:s11], [sflag:$0x1] =	stream.indirect.gather [spmem:s3], $0x10, s20, s9, $0xb8;
	[tilespmem:$0x11B20] =	vst v63  }
0xcd: {  	_ = 	snop  }
0xce: {  	[spmem:s2] =	stream.indirect.scatter.add.f32 [tilespmem:s10], [sflag:$0x2], $0x10, s21, s9, $0xb8;
	[tilespmem:$0x11B20] =	vst v63  }
0xcf: {  	_ =	swait.ge [sflag:s4], $0x3E80  }
0xd0: {  	[sflag:s4] =	ssyncset.done $0x0  }
0xd1: {  	[sflag:s4] =	ssyncadd.s32 $0xFFFFC180  }
0xd2: {  	_ =	swait.ge [sflag:s6], $0x3E80  }
0xd3: {  	[sflag:s6] =	ssyncset.done $0x0  }
0xd4: {  	[sflag:s6] =	ssyncadd.s32 $0xFFFFC180  }
0xd5: {  	[tilespmem:s10], [sflag:$0x1] =	stream.indirect.gather [spmem:s3], $0x10, s17, s9, $0xb8;
	[tilespmem:$0x11B20] =	vst v63  }
0xd6: {  	_ = 	snop  }
0xd7: {  	[spmem:s2] =	stream.indirect.scatter.add.f32 [tilespmem:s11], [sflag:$0x2], $0x10, s19, s9, $0xb8;
	[tilespmem:$0x11B20] =	vst v63  }
0xd8: {  	_ =	swait.ge [sflag:s4], $0x3E80  }
0xd9: {  	[sflag:s4] =	ssyncset.done $0x0  }
0xda: {  	[sflag:s4] =	ssyncadd.s32 $0xFFFFC180  }
0xdb: {  	_ =	swait.ge [sflag:s6], $0x3E80  }
0xdc: {  	[sflag:s6] =	ssyncset.done $0x0  }
0xdd: {  	[sflag:s6] =	ssyncadd.s32 $0xFFFFC180  }
0xde: {  	[tilespmem:s11], [sflag:$0x1] =	stream.indirect.gather [spmem:s3], $0x10, s15, s9, $0xb8;
	[tilespmem:$0x11B20] =	vst v63  }
0xdf: {  	_ = 	snop  }
0xe0: {  	[spmem:s2] =	stream.indirect.scatter.add.f32 [tilespmem:s10], [sflag:$0x2], $0x10, s16, s9, $0xb8;
	[tilespmem:$0x11B20] =	vst v63  }
0xe1: {  	_ =	swait.ge [sflag:s4], $0x3E80  }
0xe2: {  	[sflag:s4] =	ssyncset.done $0x0  }
0xe3: {  	[sflag:s4] =	ssyncadd.s32 $0xFFFFC180  }
0xe4: {  	_ =	swait.ge [sflag:s6], $0x3E80  }
0xe5: {  	[sflag:s6] =	ssyncset.done $0x0  }
0xe6: {  	[sflag:s6] =	ssyncadd.s32 $0xFFFFC180  }
0xe7: {  	[tilespmem:s10], [sflag:$0x1] =	stream.indirect.gather [spmem:s3], $0x10, s13, s9, $0xb8;
	[tilespmem:$0x11B20] =	vst v63  }
0xe8: {  	_ = 	snop  }
0xe9: {  	[spmem:s2] =	stream.indirect.scatter.add.f32 [tilespmem:s11], [sflag:$0x2], $0x10, s14, s9, $0xb8;
	[tilespmem:$0x11B20] =	vst v63  }
0xea: {  	_ =	swait.ge [sflag:s4], $0x3E80  }
0xeb: {  	[sflag:s4] =	ssyncset.done $0x0  }
0xec: {  	[sflag:s4] =	ssyncadd.s32 $0xFFFFC180  }
0xed: {  	_ =	swait.ge [sflag:s6], $0x3E80  }
0xee: {  	[sflag:s6] =	ssyncset.done $0x0  }
0xef: {  	s12 =	simm.s32 $0x4A38;
	[sflag:s6] =	ssyncadd.s32 $0xFFFFC180  }
0xf0: {  	[spmem:s2] =	stream.indirect.scatter.add.f32 [tilespmem:s10], [sflag:$0x2], $0x10, s12, s9, $0xb8;
	[tilespmem:$0x11B20] =	vst v63  }
0xf1: {  	_ =	swait.ge [sflag:s4], $0x3E80  }
0xf2: {  	p1 =	sne.s32 s1, $0x1;
	[sflag:s4] =	ssyncset.done $0x0  }
.Ltmp2:
0xf3: {  	[sflag:s4] =	ssyncadd.s32 $0xFFFFC180;
	(pc) =	sbr.rel @p1 .LBB2_3-.Ltmp2, $4  }
0xf4: {  	[bflag:$0x0] =	sbarrier.arrive $0xFFFF  }
0xf5: {  	s12 =	rddreg [dreg:$0x8]  }
0xf6: {  	[hbm:s12@s7], [sflag:s5] =	dma.strided [spmem:s8@s4], $0x500, s6, $0x2   }
0xf7: {  	s1 =	sadd.s32 $0xFFFFFFFF, s1;
	_ =	swait.ge [sflag:s4], $0x500  }
0xf8: {  	s12 =	stileid.u32  }
.LBB2_5:
0xf9: {  	[sflag:s4] =	ssyncset.done @p0 $0x0  }
0xfa: {  	s0 =	rddreg [dreg:$0x5];
	[sflag:s4] =	ssyncadd.s32 @p0 $0xFFFFFB00  }
0xfb: {  	[tilespmem:s18], [sflag:$0x2] =	stream.linear.gather [hbm4b:s0+s18], $0x2710, $0x38;
	[tilespmem:$0x11B20] =	vst v63  }
0xfc: {  	_ =	swait.ge [sflag:s4], $0x2710  }
0xfd: {  	[sflag:s4] =	ssyncset.done $0x0  }
0xfe: {  	s1 =	rddreg [dreg:$0x6];
	[sflag:s4] =	ssyncadd.s32 $0xFFFFD8F0  }
0xff: {  	[tilespmem:s29], [sflag:$0x2] =	stream.linear.gather [hbm4b:s1+s18], $0x2710, $0x38;
	[tilespmem:$0x11B20] =	vst v63  }
0x100: {  	_ =	swait.ge [sflag:s4], $0x2710  }
0x101: {  	s0 =	rddreg [dreg:$0x7];
	[sflag:s4] =	ssyncset.done $0x0  }
0x102: {  	s1 =	rddreg [dreg:$0x9];
	[sflag:s4] =	ssyncadd.s32 $0xFFFFD8F0  }
0x103: {  	[spmem:s1@s4], [sflag:s5] =	dma.strided [hbm:s0@s7], $0x500, s6, $0x2   }
0x104: {  	_ =	swait.ge [sflag:s4], $0x500  }
0x105: {  	[sflag:s4] =	ssyncset.done $0x0  }
0x106: {  	s1 =	rddreg [dreg:$0x4];
	[sflag:s4] =	ssyncadd.s32 $0xFFFFFB00  }
0x107: {  	[spmem:s8], [sflag:s5] =	dma.local [hbm:s1], $0x500  }
0x108: {  	_ =	swait.ge [sflag:s4], $0x500  }
0x109: {  	[sflag:s4] =	ssyncset.done $0x0  }
0x10a: {  	[sflag:s4] =	ssyncadd.s32 $0xFFFFFB00  }
0x10b: {  	[bflag:$0x0] =	sbarrier.arrive $0xFFFF  }
0x10c: {  	[tilespmem:s11], [sflag:$0x1] =	stream.indirect.gather [spmem:s3], $0x10, s18, s9, $0xb8;
	[tilespmem:$0x11B20] =	vst v63  }
0x10d: {  	_ =	swait.ge [sflag:s6], $0x3E80  }
0x10e: {  	[sflag:s6] =	ssyncset.done $0x0  }
0x10f: {  	[sflag:s6] =	ssyncadd.s32 $0xFFFFC180  }
0x110: {  	[tilespmem:s10], [sflag:$0x1] =	stream.indirect.gather [spmem:s3], $0x10, s9, s9, $0xb8;
	[tilespmem:$0x11B20] =	vst v63  }
0x111: {  	_ = 	snop  }
0x112: {  	[spmem:s2] =	stream.indirect.scatter.add.f32 [tilespmem:s11], [sflag:$0x2], $0x10, s29, s9, $0xb8;
	[tilespmem:$0x11B20] =	vst v63  }
0x113: {  	_ =	swait.ge [sflag:s4], $0x3E80  }
0x114: {  	[sflag:s4] =	ssyncset.done $0x0  }
0x115: {  	[sflag:s4] =	ssyncadd.s32 $0xFFFFC180  }
0x116: {  	_ =	swait.ge [sflag:s6], $0x3E80  }
0x117: {  	[sflag:s6] =	ssyncset.done $0x0  }
0x118: {  	[sflag:s6] =	ssyncadd.s32 $0xFFFFC180  }
0x119: {  	[tilespmem:s11], [sflag:$0x1] =	stream.indirect.gather [spmem:s3], $0x10, s30, s9, $0xb8;
	[tilespmem:$0x11B20] =	vst v63  }
0x11a: {  	_ = 	snop  }
0x11b: {  	[spmem:s2] =	stream.indirect.scatter.add.f32 [tilespmem:s10], [sflag:$0x2], $0x10, s31, s9, $0xb8;
	[tilespmem:$0x11B20] =	vst v63  }
0x11c: {  	_ =	swait.ge [sflag:s4], $0x3E80  }
0x11d: {  	[sflag:s4] =	ssyncset.done $0x0  }
0x11e: {  	[sflag:s4] =	ssyncadd.s32 $0xFFFFC180  }
0x11f: {  	_ =	swait.ge [sflag:s6], $0x3E80  }
0x120: {  	[sflag:s6] =	ssyncset.done $0x0  }
0x121: {  	[sflag:s6] =	ssyncadd.s32 $0xFFFFC180  }
0x122: {  	[tilespmem:s10], [sflag:$0x1] =	stream.indirect.gather [spmem:s3], $0x10, s26, s9, $0xb8;
	[tilespmem:$0x11B20] =	vst v63  }
0x123: {  	_ = 	snop  }
0x124: {  	[spmem:s2] =	stream.indirect.scatter.add.f32 [tilespmem:s11], [sflag:$0x2], $0x10, s28, s9, $0xb8;
	[tilespmem:$0x11B20] =	vst v63  }
0x125: {  	_ =	swait.ge [sflag:s4], $0x3E80  }
0x126: {  	[sflag:s4] =	ssyncset.done $0x0  }
0x127: {  	[sflag:s4] =	ssyncadd.s32 $0xFFFFC180  }
0x128: {  	_ =	swait.ge [sflag:s6], $0x3E80  }
0x129: {  	[sflag:s6] =	ssyncset.done $0x0  }
0x12a: {  	[sflag:s6] =	ssyncadd.s32 $0xFFFFC180  }
0x12b: {  	[tilespmem:s11], [sflag:$0x1] =	stream.indirect.gather [spmem:s3], $0x10, s24, s9, $0xb8;
	[tilespmem:$0x11B20] =	vst v63  }
0x12c: {  	_ = 	snop  }
0x12d: {  	[spmem:s2] =	stream.indirect.scatter.add.f32 [tilespmem:s10], [sflag:$0x2], $0x10, s25, s9, $0xb8;
	[tilespmem:$0x11B20] =	vst v63  }
0x12e: {  	_ =	swait.ge [sflag:s4], $0x3E80  }
0x12f: {  	[sflag:s4] =	ssyncset.done $0x0  }
0x130: {  	[sflag:s4] =	ssyncadd.s32 $0xFFFFC180  }
0x131: {  	_ =	swait.ge [sflag:s6], $0x3E80  }
0x132: {  	[sflag:s6] =	ssyncset.done $0x0  }
0x133: {  	[sflag:s6] =	ssyncadd.s32 $0xFFFFC180  }
0x134: {  	[tilespmem:s10], [sflag:$0x1] =	stream.indirect.gather [spmem:s3], $0x10, s22, s9, $0xb8;
	[tilespmem:$0x11B20] =	vst v63  }
0x135: {  	_ = 	snop  }
0x136: {  	[spmem:s2] =	stream.indirect.scatter.add.f32 [tilespmem:s11], [sflag:$0x2], $0x10, s23, s9, $0xb8;
	[tilespmem:$0x11B20] =	vst v63  }
0x137: {  	_ =	swait.ge [sflag:s4], $0x3E80  }
0x138: {  	[sflag:s4] =	ssyncset.done $0x0  }
0x139: {  	[sflag:s4] =	ssyncadd.s32 $0xFFFFC180  }
0x13a: {  	_ =	swait.ge [sflag:s6], $0x3E80  }
0x13b: {  	[sflag:s6] =	ssyncset.done $0x0  }
0x13c: {  	[sflag:s6] =	ssyncadd.s32 $0xFFFFC180  }
0x13d: {  	[tilespmem:s11], [sflag:$0x1] =	stream.indirect.gather [spmem:s3], $0x10, s20, s9, $0xb8;
	[tilespmem:$0x11B20] =	vst v63  }
0x13e: {  	_ = 	snop  }
0x13f: {  	[spmem:s2] =	stream.indirect.scatter.add.f32 [tilespmem:s10], [sflag:$0x2], $0x10, s21, s9, $0xb8;
	[tilespmem:$0x11B20] =	vst v63  }
0x140: {  	_ =	swait.ge [sflag:s4], $0x3E80  }
0x141: {  	[sflag:s4] =	ssyncset.done $0x0  }
0x142: {  	[sflag:s4] =	ssyncadd.s32 $0xFFFFC180  }
0x143: {  	_ =	swait.ge [sflag:s6], $0x3E80  }
0x144: {  	[sflag:s6] =	ssyncset.done $0x0  }
0x145: {  	[sflag:s6] =	ssyncadd.s32 $0xFFFFC180  }
0x146: {  	[tilespmem:s10], [sflag:$0x1] =	stream.indirect.gather [spmem:s3], $0x10, s17, s9, $0xb8;
	[tilespmem:$0x11B20] =	vst v63  }
0x147: {  	_ = 	snop  }
0x148: {  	[spmem:s2] =	stream.indirect.scatter.add.f32 [tilespmem:s11], [sflag:$0x2], $0x10, s19, s9, $0xb8;
	[tilespmem:$0x11B20] =	vst v63  }
0x149: {  	_ =	swait.ge [sflag:s4], $0x3E80  }
0x14a: {  	[sflag:s4] =	ssyncset.done $0x0  }
0x14b: {  	[sflag:s4] =	ssyncadd.s32 $0xFFFFC180  }
0x14c: {  	_ =	swait.ge [sflag:s6], $0x3E80  }
0x14d: {  	[sflag:s6] =	ssyncset.done $0x0  }
0x14e: {  	[sflag:s6] =	ssyncadd.s32 $0xFFFFC180  }
0x14f: {  	[tilespmem:s11], [sflag:$0x1] =	stream.indirect.gather [spmem:s3], $0x10, s15, s9, $0xb8;
	[tilespmem:$0x11B20] =	vst v63  }
0x150: {  	_ = 	snop  }
0x151: {  	[spmem:s2] =	stream.indirect.scatter.add.f32 [tilespmem:s10], [sflag:$0x2], $0x10, s16, s9, $0xb8;
	[tilespmem:$0x11B20] =	vst v63  }
0x152: {  	_ =	swait.ge [sflag:s4], $0x3E80  }
0x153: {  	[sflag:s4] =	ssyncset.done $0x0  }
0x154: {  	[sflag:s4] =	ssyncadd.s32 $0xFFFFC180  }
0x155: {  	_ =	swait.ge [sflag:s6], $0x3E80  }
0x156: {  	[sflag:s6] =	ssyncset.done $0x0  }
0x157: {  	[sflag:s6] =	ssyncadd.s32 $0xFFFFC180  }
0x158: {  	[tilespmem:s10], [sflag:$0x1] =	stream.indirect.gather [spmem:s3], $0x10, s13, s9, $0xb8;
	[tilespmem:$0x11B20] =	vst v63  }
0x159: {  	_ = 	snop  }
0x15a: {  	[spmem:s2] =	stream.indirect.scatter.add.f32 [tilespmem:s11], [sflag:$0x2], $0x10, s14, s9, $0xb8;
	[tilespmem:$0x11B20] =	vst v63  }
0x15b: {  	_ =	swait.ge [sflag:s4], $0x3E80  }
0x15c: {  	[sflag:s4] =	ssyncset.done $0x0  }
0x15d: {  	[sflag:s4] =	ssyncadd.s32 $0xFFFFC180  }
0x15e: {  	_ =	swait.ge [sflag:s6], $0x3E80  }
0x15f: {  	[sflag:s6] =	ssyncset.done $0x0  }
0x160: {  	s30 =	simm.s32 $0x4A38;
	[sflag:s6] =	ssyncadd.s32 $0xFFFFC180  }
0x161: {  	[spmem:s2] =	stream.indirect.scatter.add.f32 [tilespmem:s10], [sflag:$0x2], $0x10, s30, s9, $0xb8;
	[tilespmem:$0x11B20] =	vst v63  }
0x162: {  	_ =	swait.ge [sflag:s4], $0x3E80  }
0x163: {  	[sflag:s4] =	ssyncset.done $0x0  }
0x164: {  	[sflag:s4] =	ssyncadd.s32 $0xFFFFC180  }
0x165: {  	[bflag:$0x0] =	sbarrier.arrive $0xFFFF  }
0x166: {  	s31 =	rddreg [dreg:$0x8]  }
0x167: {  	[hbm:s31@s7], [sflag:s5] =	dma.strided [spmem:s8@s4], $0x500, s6, $0x2   }
0x168: {  	_ =	swait.ge [sflag:s4], $0x500  }
0x169: {  	[sflag:s4] =	ssyncset.done $0x0  }
0x16a: {  	[sflag:s4] =	ssyncadd.s32 $0xFFFFFB00  }
0x16b: {  	_ =	sfence.sel $0x180000  }
0x16c: {  	[bflag:$0x0] =	sbarrier.arrive $0xFFFF  }
0x16d: {  	_ =	strace $0x9000004D  }
0x16e: {  	[bflag:$0x2] =	sbarrier.arrive $0xFFFF  }
0x16f: {  	p0 =	sne.s32 s12, $0x0;
	s0 =	rddreg [dreg:$0x3]  }
0x170: {  	s0 =	sadd.s32 @!p0 $0x100000, s0  }
0x171: {  	[sflag:s0] =	ssyncadd.tile.s32 @!p0 $0x1;
	_ =	shalt  }
.LBB2_2:
.Ltmp3:
0x172: {  	(pc) =	sbr.rel .LBB2_5-.Ltmp3, $2  }
0x173: {  	_ =	sdelay $0x2  }
0x174: {  	s12 =	stileid.u32  }
.Lfunc_end2:
_tile_overlayer_lowered:
.L_overlay_start_2:
0x175: {  	(tag) =	ssettag $0x2  }
0x176: {  	s0 =	rddreg [dreg:$0x0];
	s2 =	stileid.u32  }
0x177: {  	s1 =	rddreg [dreg:$0x1];
	p0 =	sne.s32 s2, $0x0  }
0x178: {  	s3 =	rddreg [dreg:$0x2];
	[bflag:$0x3] =	sbarrier.arrive $0xFFFF;
	s2 =	simm.s32 @!p0 $0x1C02  }
0x179: {  	[timem:s3], [sflag:s2] =	dma.local @!p0 [hbm:s0], s1  }
0x17a: {  	s0 =	simm.s32 @!p0 $0x2  }
0x17b: {  	_ =	swait.ge @!p0 [sflag:s0], s1  }
0x17c: {  	s1 =	ssub.s32 @!p0 $0x0, s1;
	[sflag:s0] =	ssyncset.done @!p0 $0x0  }
0x17d: {  	[sflag:s0] =	ssyncadd.s32 @!p0 s1  }
0x17e: {  	[bflag:$0x3] =	sbarrier.arrive $0xFFFF  }
0x17f: {  	_ =	shalt  }

// kernel: kernel.9.cloned.1.call-start
scs
__scs_entry_jumppad:
0x0: {  	(pc) =	sbr.rel $0x88, $3  }
0x1: {  	(tag) =	ssettag $0x0;
	lr =	simm.s32 $0x1  }
0x2: {  	[smem:$0x3F98] =	sst lr;
	_ =	strace $0xD0000000  }
0x3: {  	_ = 	snop  }
0x4: {  	_ = 	snop  }
0x5: {  	_ = 	snop  }
0x6: {  	_ = 	snop  }
0x7: {  	_ = 	snop  }
__scs_overlays_trampoline_lowered:
0x8: {  	[smem:$0x3FA7] =	sst s0  }
0x9: {  	[smem:$0x3FA8] =	sst s1  }
0xa: {  	[smem:$0x3FA9] =	sst s2  }
0xb: {  	[smem:$0x3FAA] =	sst s3  }
0xc: {  	[smem:$0x3FAB] =	sst s4  }
0xd: {  	[smem:$0x3FAC] =	sst s5  }
0xe: {  	[smem:$0x3FAD] =	sst s6  }
0xf: {  	[smem:$0x3FAE] =	sst s7  }
0x10: {  	[smem:$0x3FAF] =	sst s8  }
0x11: {  	[smem:$0x3FB0] =	sst s9;
	s0 =	simm.s32 @!p0 $0x0  }
0x12: {  	s1 =	sld [smem:$0x3F96];
	s0 =	simm.s32 @p0 $0x1  }
0x13: {  	[smem:$0x3FB1] =	sst s0;
	s0 =	simm.s32 @!p1 $0x0  }
0x14: {  	s2 =	sld [smem:$0x3F95];
	s0 =	simm.s32 @p1 $0x1  }
0x15: {  	[smem:$0x3FB2] =	sst s0;
	s0 =	simm.s32 @!p2 $0x0  }
0x16: {  	s3 =	sld [smem:$0x3FDB];
	s0 =	simm.s32 @p2 $0x1  }
0x17: {  	s4 =	simm.s32 $0x1BF5;
	[smem:$0x3FB4] =	sst s0  }
0x18: {  	s0 =	sld [smem:$0x3F97];
	_ =	swait.ge [sflag:s4], $0x0  }
0x19: {  	s7 =	sld [smem:$0x3F98]  }
0x1a: {  	s8 =	sadd.s32 $0xFFFFE003, lr  }
0x1b: {  	s9 =	sadd.s32 $0xFFFFFEF7, lr;
	s5 =	simm.s32 $0xFFFFFFFF;
	p2 =	slt.u32 s8, $0xFFFFF086  }
0x1c: {  	p1 =	slt.u32 s9, $0xF7A;
	s5 =	simm.s32 @!p2 $0x0  }
0x1d: {  	s5 =	simm.s32 @p1 $0x1;
	p0 =	seq.s32 s7, s2  }
0x1e: {  	s7 =	smul.u32 @!p0 $0xF7A, s2;
	p2 =	seq.s32 @!p0 s5, $0x0  }
0x1f: {  	s9 =	smul.u32 $0xF7A, s1;
	s8 =	simm.s32 @!p0 $0x1BF5;
	p2 =	por !p2, p0  }
0x20: {  	[sflag:s8] =	ssyncset.s32 @!p0 $0xFFFFF086;
	s6 =	sadd.s32 @!p0 s3, s7;
	s7 =	simm.s32 @!p0 $0x108  }
0x21: {  	s3 =	sadd.s32 s3, s9;
	s6 =	sadd.s32 @!p0 $0x88, s6;
	s7 =	simm.s32 @p2 $0x1082  }
0x22: {  	[simem:s7], [sflag:s8] =	dma.local @!p0 [hbm:s6], $0xF7A  }
0x23: {  	s9 =	sor.u32 $0xD0000000, s2;
	s6 =	simm.s32 $0x108;
	_ =	swait.ge @!p0 [sflag:s8], $0x0  }
0x24: {  	s3 =	sadd.s32 $0x88, s3;
	s6 =	simm.s32 @!p1 $0x1082;
	[sflag:s4] =	ssyncset.s32 $0xFFFFF086  }
0x25: {  	[simem:s6], [sflag:s4] =	dma.local [hbm:s3], $0xF7A  }
0x26: {  	[smem:$0x3F98] =	sst s1;
	(tag) =	ssettag s2;
	_ =	strace s9  }
0x27: {  	s1 =	sld [smem:$0x3FA8]  }
0x28: {  	s2 =	sld [smem:$0x3FA9]  }
0x29: {  	s4 =	sld [smem:$0x3FAB]  }
0x2a: {  	p0 =	seq.s32 s5, $0x0;
	s5 =	sld [smem:$0x3FAC]  }
0x2b: {  	s6 =	sld [smem:$0x3FAD]  }
0x2c: {  	s7 =	sld [smem:$0x3FAE]  }
0x2d: {  	s3 =	simm.s32 $0x108;
	s8 =	sld [smem:$0x3FAF]  }
0x2e: {  	s3 =	simm.s32 @!p0 $0x1082;
	s9 =	sld [smem:$0x3FB0]  }
0x2f: {  	lr =	sadd.s32 s0, s3;
	s0 =	sld [smem:$0x3FA7]  }
0x30: {  	s3 =	sld [smem:$0x3FAA]  }
0x31: {  	[smem:$0x3FB3] =	sst s10  }
0x32: {  	s10 =	sld [smem:$0x3FB1];
	_ =	sdelay $0x3  }
0x33: {  	p0 =	seq.s32 s10, $0x1;
	s10 =	sld [smem:$0x3FB3];
	_ =	sdelay $0x3  }
0x34: {  	[smem:$0x3FB3] =	sst s10  }
0x35: {  	s10 =	sld [smem:$0x3FB2];
	_ =	sdelay $0x3  }
0x36: {  	p1 =	seq.s32 s10, $0x1;
	s10 =	sld [smem:$0x3FB3];
	_ =	sdelay $0x3  }
0x37: {  	[smem:$0x3FB3] =	sst s10  }
0x38: {  	s10 =	sld [smem:$0x3FB4]  }
0x39: {  	_ = 	snop;
	(pc) =	sbr.ind lr, $3  }
0x3a: {  	_ = 	snop  }
0x3b: {  	_ = 	snop  }
0x3c: {  	p2 =	seq.s32 s10, $0x1;
	s10 =	sld [smem:$0x3FB3]  }
0x3d: {  	_ =	shalt  }
0x3e: {  	_ =	shalt  }
0x3f: {  	_ =	shalt  }
0x40: {  	_ =	shalt  }
0x41: {  	_ =	shalt  }
0x42: {  	_ =	shalt  }
0x43: {  	_ =	shalt  }
0x44: {  	_ =	shalt  }
0x45: {  	_ =	shalt  }
0x46: {  	_ =	shalt  }
0x47: {  	_ =	shalt  }
0x48: {  	_ =	shalt  }
0x49: {  	_ =	shalt  }
0x4a: {  	_ =	shalt  }
0x4b: {  	_ =	shalt  }
0x4c: {  	_ =	shalt  }
0x4d: {  	_ =	shalt  }
0x4e: {  	_ =	shalt  }
0x4f: {  	_ =	shalt  }
0x50: {  	_ =	shalt  }
0x51: {  	_ =	shalt  }
0x52: {  	_ =	shalt  }
0x53: {  	_ =	shalt  }
0x54: {  	_ =	shalt  }
0x55: {  	_ =	shalt  }
0x56: {  	_ =	shalt  }
0x57: {  	_ =	shalt  }
0x58: {  	_ =	shalt  }
0x59: {  	_ =	shalt  }
0x5a: {  	_ =	shalt  }
0x5b: {  	_ =	shalt  }
0x5c: {  	_ =	shalt  }
0x5d: {  	_ =	shalt  }
0x5e: {  	_ =	shalt  }
0x5f: {  	_ =	shalt  }
0x60: {  	_ =	shalt  }
0x61: {  	_ =	shalt  }
0x62: {  	_ =	shalt  }
0x63: {  	_ =	shalt  }
0x64: {  	_ =	shalt  }
0x65: {  	_ =	shalt  }
0x66: {  	_ =	shalt  }
0x67: {  	_ =	shalt  }
0x68: {  	_ =	shalt  }
0x69: {  	_ =	shalt  }
0x6a: {  	_ =	shalt  }
0x6b: {  	_ =	shalt  }
0x6c: {  	_ =	shalt  }
0x6d: {  	_ =	shalt  }
0x6e: {  	_ =	shalt  }
0x6f: {  	_ =	shalt  }
0x70: {  	_ =	shalt  }
0x71: {  	_ =	shalt  }
0x72: {  	_ =	shalt  }
0x73: {  	_ =	shalt  }
0x74: {  	_ =	shalt  }
0x75: {  	_ =	shalt  }
0x76: {  	_ =	shalt  }
0x77: {  	_ =	shalt  }
0x78: {  	_ =	shalt  }
0x79: {  	_ =	shalt  }
0x7a: {  	_ =	shalt  }
0x7b: {  	_ =	shalt  }
0x7c: {  	_ =	shalt  }
0x7d: {  	_ =	shalt  }
0x7e: {  	_ =	shalt  }
0x7f: {  	_ =	shalt  }
0x80: {  	_ =	shalt  }
0x81: {  	_ =	shalt  }
0x82: {  	_ =	shalt  }
0x83: {  	_ =	shalt  }
0x84: {  	_ =	shalt  }
0x85: {  	_ =	shalt  }
0x86: {  	_ =	shalt  }
0x87: {  	_ =	shalt  }
.Lfunc_end0:
.L_simem_size_0:
called_computation_lowered:
.L_overlay_start_0:
0x88: {  	s2 =	sld [smem:$0x3FD9]  }
0x89: {  	s3 =	sld [smem:$0x3FFE];
	_ =	sdelay $0x1  }
0x8a: {  	s1 =	srdreg.scid  }
0x8b: {  	s0 =	sand.u32 $0x1, s1  }
0x8c: {  	s17 =	sshll.u32 s0, $0xA;
	s2 =	sadd.s32 s3, s2  }
0x8d: {  	s2 =	sadd.s32 s2, s17  }
0x8e: {  	[smem:$0x3FBF] =	sst s2  }
0x8f: {  	_ = 	snop  }
0x90: {  	s2 =	sld [smem:$0x3FD0];
	(tm) =	ssettm $0x1  }
0x91: {  	s18 =	sld [smem:$0x3FFB];
	_ =	sdelay $0x3  }
0x92: {  	_ =	strace s18  }
0x93: {  	s3 =	sld [smem:$0x3FFC];
	_ =	sdelay $0x3  }
0x94: {  	_ =	strace s3  }
0x95: {  	s3 =	sld [smem:$0x3FFD];
	_ =	sdelay $0x3  }
0x96: {  	_ =	strace s3  }
0x97: {  	_ =	strace $0x8FFFFFFF  }
0x98: {  	s19 =	sld [smem:$0x3FDB];
	_ =	sdelay $0x1  }
0x99: {  	s4 =	simm.s32 $_scs_section_size  }
0x9a: {  	s5 =	simm.s32 $_size__tile_overlayer_lowered;
	s6 =	simm.s32 $_tile_overlayer_lowered  }
0x9b: {  	s22 =	simm.s32 $0x1BFF;
	s21 =	sshll.u32 s6, $0x1;
	s3 =	sadd.s32 s4, s19  }
0x9c: {  	s7 =	simm.s32 $0x0;
	s20 =	sshll.u32 s5, $0x1;
	s5 =	sadd.s32 s21, s3  }
0x9d: {  	[timem:s7], [sflag:s22] =	dma.local [hbm:s5], s20  }
0x9e: {  	_ =	swait.ge [sflag:s22], s20  }
0x9f: {  	s4 =	ssub.s32 $0x0, s20;
	[sflag:s22] =	ssyncset.done $0x0  }
0xa0: {  	[sflag:s22] =	ssyncadd.s32 s4;
	_ =	sdelay $0x1  }
0xa1: {  	s23 =	simm.s32 $0x1B8B  }
0xa2: {  	_ =	swait.ge [sflag:s23], $0x1  }
0xa3: {  	[sflag:s23] =	ssyncset.done $0x0  }
0xa4: {  	s25 =	simm.s32 $0x1B8E;
	s24 =	sld [smem:$0x3FFE];
	[sflag:s23] =	ssyncadd.s32 $0xFFFFFFFF  }
0xa5: {  	s26 =	simm.s32 $execute0_lowered;
	[smem:$0x3FD2] =	sst s25  }
0xa6: {  	s5 =	sshll.u32 s26, $0x1;
	_ =	strace $0x80000046;
	[dreg:$0x1] =	wrdreg $0xFFFFFFFF  }
0xa7: {  	s28 =	simm.s32 $_size_execute0_lowered;
	s3 =	sadd.s32 s3, s5;
	[dreg:$0x0] =	wrdreg $0x0  }
0xa8: {  	s5 =	sshll.u32 s28, $0x1;
	[dreg:$0x2] =	wrdreg s3  }
0xa9: {  	[dreg:$0x3] =	wrdreg s5  }
0xaa: {  	[dreg:$0x4] =	wrdreg $0xC0  }
0xab: {  	_ =	task [dreg:s7], $0x5FFFF  }
0xac: {  	[dreg:$0x1] =	wrdreg $0xFFFFFFFF  }
0xad: {  	[dreg:$0x0] =	wrdreg $0x60  }
0xae: {  	[dreg:$0x2] =	wrdreg s24  }
0xaf: {  	[dreg:$0x3] =	wrdreg s2  }
0xb0: {  	[dreg:$0x4] =	wrdreg $0xA4100  }
0xb1: {  	[dreg:$0x5] =	wrdreg $0x9  }
0xb2: {  	_ =	task.clear_ibuf [dreg:s7], $0x6FFFF;
	_ =	strace $0x90000046  }
0xb3: {  	s29 =	simm.s32 $0x9;
	_ =	strace $0x80000048  }
0xb4: {  	_ =	swait.ge [sflag:s29], $0x1  }
0xb5: {  	[sflag:s29] =	ssyncadd.s32 $0xFFFFFFFF  }
0xb6: {  	_ =	strace $0x90000048  }
0xb7: {  	_ =	sfence  }
0xb8: {  	s30 =	sld [smem:$0x0];
	_ =	sdelay $0x2  }
0xb9: {  	s31 =	sshll.u32 s1, $0xD;
	s1 =	sshrl.u32 s1, $0x2  }
0xba: {  	s3 =	sand.u32 $0x4000, s31;
	s1 =	sadd.s32 s1, s30  }
0xbb: {  	s0 =	sor.u32 s3, s0;
	s1 =	sshll.u32 s1, $0x11  }
0xbc: {  	s0 =	sor.u32 s1, s0  }
0xbd: {  	s0 =	sadd.s32 $0x8F2B, s0  }
0xbe: {  	[sflag:s0] =	ssyncadd.remote.s32 $0x1  }
0xbf: {  	_ =	sfence.sel $0xFFFF  }
0xc0: {  	[dreg:$0x0] =	wrdreg $0xFFFFFFFF;
	(pc) =	sbr.abs _section_cstart, $3  }
0xc1: {  	[dreg:$0x1] =	wrdreg $0xFFFFFFFF  }
0xc2: {  	_ =	task.clear_ibuf [dreg:s7], $0x2FFFF;
	_ =	strace $0x9FFFFFFF  }
0xc3: {  	(tm) =	ssettm $0x7FFFFFFF  }
tec
execute0_lowered:
.L_overlay_start_1:
0x0: {  	(tag) =	ssettag $0x1  }
0x1: {  	s1 =	srdreg.scid;
	s0 =	stileid.u32  }
0x2: {  	s15 =	sand.u32 $0x1, s1;
	s28 =	sshll.u32 s0, $0x1  }
0x3: {  	s16 =	rddreg [dreg:$0x0];
	s1 =	sor.u32 s15, s28  }
0x4: {  	s2 =	rddreg [dreg:$0x1];
	s5 =	smul.u32 $0x2710, s1  }
0x5: {  	s3 =	rddreg [dreg:$0x2];
	s4 =	simm.s32 $0x0  }
0x6: {  	[smem:$0x7FF] =	sst s4;
	s5 =	sshrl.u32 s5, $0x3  }
0x7: {  	s1 =	rddreg [dreg:$0x3];
	s5 =	sadd.s32 s16, s5  }
0x8: {  	_ =	strace $0x80000047;
	s6 =	sadd.s32 $0xBE40, s5;
	s5 =	simm.s32 $0x1  }
0x9: {  	[tilespmem:s4], [sflag:$0x1] =	stream.linear.gather [hbm4b:s6+s4], $0x2710, $0x38;
	[tilespmem:$0xCC10] =	vst v63  }
0xa: {  	_ =	swait.ge [sflag:s5], $0x2710  }
0xb: {  	[sflag:s5] =	ssyncset.done $0x0  }
0xc: {  	s7 =	simm.s32 $0x2710;
	s17 =	smul.u32 $0x2800, s0;
	[sflag:s5] =	ssyncadd.s32 $0xFFFFD8F0  }
0xd: {  	[tilespmem:s7], [sflag:$0x1] =	stream.linear.gather [hbm4b:s2+s4], $0x7D00, $0x38;
	[tilespmem:$0xCC10] =	vst v63  }
0xe: {  	s8 =	sadd.s32 $0x15C00, s16;
	_ =	swait.ge [sflag:s5], $0x7D00  }
0xf: {  	s9 =	sshll.u32 s0, $0x6;
	s10 =	sadd.s32 s17, s3;
	[sflag:s5] =	ssyncset.done $0x0  }
0x10: {  	s9 =	sor.u32 $0x1C01, s9;
	s10 =	sshrl.u32 s10, $0x3;
	[sflag:s5] =	ssyncadd.s32 $0xFFFF8300  }
0x11: {  	[spmem:s10], [sflag:s9] =	dma.local [hbm:s8], $0x500  }
0x12: {  	_ =	swait.ge [sflag:s5], $0x500  }
0x13: {  	[sflag:s5] =	ssyncset.done $0x0  }
0x14: {  	[sflag:s5] =	ssyncadd.s32 $0xFFFFFB00  }
0x15: {  	s11 =	simm.s32 $0x7D0;
	[bflag:$0x0] =	sbarrier.arrive $0xFFFF  }
0x16: {  	[spmem:s3] =	stream.indirect.scatter.add.f32 [tilespmem:s7], [sflag:$0x1], $0x10, s4, s11, $0xb8;
	[tilespmem:$0xCC10] =	vst v63  }
0x17: {  	_ =	swait.ge [sflag:s5], $0x7D00  }
0x18: {  	[sflag:s5] =	ssyncset.done $0x0  }
0x19: {  	[sflag:s5] =	ssyncadd.s32 $0xFFFF8300  }
0x1a: {  	[spmem:s3] =	stream.indirect.scatter.add.f32 [tilespmem:s7], [sflag:$0x1], $0x10, s11, s11, $0xb8;
	[tilespmem:$0xCC10] =	vst v63  }
0x1b: {  	_ =	swait.ge [sflag:s5], $0x7D00  }
0x1c: {  	[sflag:s5] =	ssyncset.done $0x0  }
0x1d: {  	s12 =	simm.s32 $0xFA0;
	[sflag:s5] =	ssyncadd.s32 $0xFFFF8300  }
0x1e: {  	[spmem:s3] =	stream.indirect.scatter.add.f32 [tilespmem:s7], [sflag:$0x1], $0x10, s12, s11, $0xb8;
	[tilespmem:$0xCC10] =	vst v63  }
0x1f: {  	_ =	swait.ge [sflag:s5], $0x7D00  }
0x20: {  	[sflag:s5] =	ssyncset.done $0x0  }
0x21: {  	s13 =	simm.s32 $0x1770;
	[sflag:s5] =	ssyncadd.s32 $0xFFFF8300  }
0x22: {  	[spmem:s3] =	stream.indirect.scatter.add.f32 [tilespmem:s7], [sflag:$0x1], $0x10, s13, s11, $0xb8;
	[tilespmem:$0xCC10] =	vst v63  }
0x23: {  	s18 =	smul.u32 $0x28000, s15;
	s15 =	ssub.s32 $0x2, s15;
	_ =	swait.ge [sflag:s5], $0x7D00  }
0x24: {  	s29 =	sshrl.u32 s15, $0x1;
	[sflag:s5] =	ssyncset.done $0x0  }
0x25: {  	s14 =	simm.s32 $0x1F40;
	s30 =	ssub.s32 s15, s29;
	[sflag:s5] =	ssyncadd.s32 $0xFFFF8300  }
0x26: {  	[spmem:s3] =	stream.indirect.scatter.add.f32 [tilespmem:s7], [sflag:$0x1], $0x10, s14, s11, $0xb8;
	[tilespmem:$0xCC10] =	vst v63  }
0x27: {  	s17 =	sadd.s32 s17, s18;
	s31 =	smax.u32 s30, $0x1;
	_ =	swait.ge [sflag:s5], $0x7D00  }
0x28: {  	s17 =	sshrl.u32 s17, $0x3;
	p0 =	sne.s32 s31, $0x1;
	[sflag:s5] =	ssyncset.done $0x0  }
.Ltmp0:
0x29: {  	s16 =	sadd.s32 s17, s16;
	[sflag:s5] =	ssyncadd.s32 $0xFFFF8300;
	(pc) =	sbr.rel @!p0 .LBB2_2-.Ltmp0, $4  }
0x2a: {  	s15 =	sadd.s32 $0x16200, s16;
	[bflag:$0x0] =	sbarrier.arrive $0xFFFF  }
0x2b: {  	[hbm:s15], [sflag:s9] =	dma.local [spmem:s10], $0x500  }
0x2c: {  	_ =	swait.ge [sflag:s5], $0x500  }
0x2d: {  	s16 =	sadd.s32 $0xFFFFFFFF, s31;
	[sflag:s5] =	ssyncset.done $0x0  }
.LBB2_1:
0x2e: {  	p0 =	sne.s32 s16, $0x1;
	s16 =	sadd.s32 $0xFFFFFFFF, s16;
	[sflag:s5] =	ssyncadd.s32 $0xFFFFFB00  }
0x2f: {  	[tilespmem:s4], [sflag:$0x1] =	stream.linear.gather [hbm4b:s6+s4], $0x2710, $0x38;
	[tilespmem:$0xCC10] =	vst v63  }
0x30: {  	_ =	swait.ge [sflag:s5], $0x2710  }
0x31: {  	[sflag:s5] =	ssyncset.done $0x0  }
0x32: {  	[sflag:s5] =	ssyncadd.s32 $0xFFFFD8F0  }
0x33: {  	[tilespmem:s7], [sflag:$0x1] =	stream.linear.gather [hbm4b:s2+s4], $0x7D00, $0x38;
	[tilespmem:$0xCC10] =	vst v63  }
0x34: {  	_ =	swait.ge [sflag:s5], $0x7D00  }
0x35: {  	[sflag:s5] =	ssyncset.done $0x0  }
0x36: {  	[sflag:s5] =	ssyncadd.s32 $0xFFFF8300  }
0x37: {  	[spmem:s10], [sflag:s9] =	dma.local [hbm:s8], $0x500  }
0x38: {  	_ =	swait.ge [sflag:s5], $0x500  }
0x39: {  	[sflag:s5] =	ssyncset.done $0x0  }
0x3a: {  	[sflag:s5] =	ssyncadd.s32 $0xFFFFFB00  }
0x3b: {  	[bflag:$0x0] =	sbarrier.arrive $0xFFFF  }
0x3c: {  	[spmem:s3] =	stream.indirect.scatter.add.f32 [tilespmem:s7], [sflag:$0x1], $0x10, s4, s11, $0xb8;
	[tilespmem:$0xCC10] =	vst v63  }
0x3d: {  	_ =	swait.ge [sflag:s5], $0x7D00  }
0x3e: {  	[sflag:s5] =	ssyncset.done $0x0  }
0x3f: {  	[sflag:s5] =	ssyncadd.s32 $0xFFFF8300  }
0x40: {  	[spmem:s3] =	stream.indirect.scatter.add.f32 [tilespmem:s7], [sflag:$0x1], $0x10, s11, s11, $0xb8;
	[tilespmem:$0xCC10] =	vst v63  }
0x41: {  	_ =	swait.ge [sflag:s5], $0x7D00  }
0x42: {  	[sflag:s5] =	ssyncset.done $0x0  }
0x43: {  	[sflag:s5] =	ssyncadd.s32 $0xFFFF8300  }
0x44: {  	[spmem:s3] =	stream.indirect.scatter.add.f32 [tilespmem:s7], [sflag:$0x1], $0x10, s12, s11, $0xb8;
	[tilespmem:$0xCC10] =	vst v63  }
0x45: {  	_ =	swait.ge [sflag:s5], $0x7D00  }
0x46: {  	[sflag:s5] =	ssyncset.done $0x0  }
0x47: {  	[sflag:s5] =	ssyncadd.s32 $0xFFFF8300  }
0x48: {  	[spmem:s3] =	stream.indirect.scatter.add.f32 [tilespmem:s7], [sflag:$0x1], $0x10, s13, s11, $0xb8;
	[tilespmem:$0xCC10] =	vst v63  }
0x49: {  	_ =	swait.ge [sflag:s5], $0x7D00  }
0x4a: {  	[sflag:s5] =	ssyncset.done $0x0  }
0x4b: {  	[sflag:s5] =	ssyncadd.s32 $0xFFFF8300  }
0x4c: {  	[spmem:s3] =	stream.indirect.scatter.add.f32 [tilespmem:s7], [sflag:$0x1], $0x10, s14, s11, $0xb8;
	[tilespmem:$0xCC10] =	vst v63  }
0x4d: {  	_ =	swait.ge [sflag:s5], $0x7D00  }
0x4e: {  	[sflag:s5] =	ssyncset.done $0x0  }
.Ltmp1:
0x4f: {  	[sflag:s5] =	ssyncadd.s32 $0xFFFF8300;
	(pc) =	sbr.rel @p0 .LBB2_1-.Ltmp1, $4  }
0x50: {  	[bflag:$0x0] =	sbarrier.arrive $0xFFFF  }
0x51: {  	[hbm:s15], [sflag:s9] =	dma.local [spmem:s10], $0x500  }
0x52: {  	_ =	swait.ge [sflag:s5], $0x500  }
0x53: {  	[sflag:s5] =	ssyncset.done $0x0  }
.LBB2_2:
0x54: {  	[sflag:s5] =	ssyncadd.s32 $0xFFFFFB00  }
0x55: {  	_ =	sfence.sel $0x180000  }
0x56: {  	[bflag:$0x0] =	sbarrier.arrive $0xFFFF  }
0x57: {  	p0 =	sne.s32 s0, $0x0;
	_ =	strace $0x90000047  }
0x58: {  	s0 =	sadd.s32 @!p0 $0x100000, s1;
	[bflag:$0x2] =	sbarrier.arrive $0xFFFF  }
0x59: {  	[sflag:s0] =	ssyncadd.tile.s32 @!p0 $0x1;
	_ =	shalt  }
.Lfunc_end2:
_tile_overlayer_lowered:
.L_overlay_start_2:
0x5a: {  	(tag) =	ssettag $0x2  }
0x5b: {  	s0 =	rddreg [dreg:$0x0];
	s2 =	stileid.u32  }
0x5c: {  	s1 =	rddreg [dreg:$0x1];
	p0 =	sne.s32 s2, $0x0  }
0x5d: {  	s3 =	rddreg [dreg:$0x2];
	[bflag:$0x3] =	sbarrier.arrive $0xFFFF;
	s2 =	simm.s32 @!p0 $0x1C01  }
0x5e: {  	[timem:s3], [sflag:s2] =	dma.local @!p0 [hbm:s0], s1  }
0x5f: {  	s0 =	simm.s32 @!p0 $0x1  }
0x60: {  	_ =	swait.ge @!p0 [sflag:s0], s1  }
0x61: {  	s1 =	ssub.s32 @!p0 $0x0, s1;
	[sflag:s0] =	ssyncset.done @!p0 $0x0  }
0x62: {  	[sflag:s0] =	ssyncadd.s32 @!p0 s1  }
0x63: {  	[bflag:$0x3] =	sbarrier.arrive $0xFFFF  }
0x64: {  	_ =	shalt  }

</sc_bundles>
